<compile_context>
chip_gen: v7x
topology: tpu7x:2x2x1
jax: 0.10.2.dev20260603
libtpu: 0.0.44.dev20260713+nightly
codegen_flags: <defaults>
</compile_context>

<pallas_src>
import functools

import jax
import jax.numpy as jnp
from jax import lax
from jax.experimental import pallas as pl
from jax.experimental.pallas import tpu as pltpu
from jax.experimental.pallas import tpu_sc as plsc

_S = 30.0
_NC, _NS, _L = 2, 16, 16
_NW = _NC * _NS
_B_SC = 4096


def _make_sc_dense(b, c, b_sc):
    rpw = b_sc // _NW
    ng = rpw // _L
    row_base = b - b_sc
    mesh = plsc.VectorSubcoreMesh(core_axis_name="c", subcore_axis_name="s")

    @functools.partial(
        pl.kernel,
        mesh=mesh,
        out_type=[
            jax.ShapeDtypeStruct((b_sc,), jnp.float32),
            jax.ShapeDtypeStruct((b_sc,), jnp.float32),
        ],
        scratch_types=[
            pltpu.VMEM((rpw, c), jnp.float32),
            pltpu.VMEM((rpw,), jnp.int32),
            pltpu.VMEM((128,), jnp.float32),
            pltpu.VMEM((rpw,), jnp.float32),
            pltpu.VMEM((rpw,), jnp.float32),
        ],
        compiler_params=pltpu.CompilerParams(
            needs_layout_passes=False, use_tc_tiling_on_sc=True),
    )
    def sc_dense(x_hbm, ml_hbm, t_hbm, z_out, w_out, buf, t_v, ml_v, zv, wv):
        wid = lax.axis_index("s") * _NC + lax.axis_index("c")
        out0 = wid * rpw
        row0 = row_base + out0
        pltpu.sync_copy(x_hbm.at[pl.ds(row0, rpw)], buf)
        pltpu.sync_copy(t_hbm.at[pl.ds(row0, rpw)], t_v)
        pltpu.sync_copy(ml_hbm, ml_v)
        iota = lax.broadcasted_iota(jnp.int32, (_L,), 0)

        def group(g, carry):
            rowids = g * _L + iota
            v = plsc.load_gather(buf, [rowids, jnp.zeros((_L,), jnp.int32)])
            m16 = v
            for cc in range(1, c):
                v = plsc.load_gather(buf, [rowids, jnp.full((_L,), cc, jnp.int32)])
                m16 = jnp.maximum(m16, v)
            e16 = jnp.zeros((_L,), jnp.float32)
            for cc in range(c):
                v = plsc.load_gather(buf, [rowids, jnp.full((_L,), cc, jnp.int32)])
                e16 = e16 + jnp.exp((v - m16) * _S)
            t16 = t_v[pl.ds(g * _L, _L)]
            p16 = plsc.load_gather(buf, [rowids, t16])
            bm16 = plsc.load_gather(ml_v, [t16])
            q16 = p16 - bm16
            z16 = e16 - jnp.exp((p16 - m16) * _S) + jnp.exp((q16 - m16) * _S)
            w16 = _S * m16 - _S * q16
            zv[pl.ds(g * _L, _L)] = z16
            wv[pl.ds(g * _L, _L)] = w16
            return carry

        lax.fori_loop(0, ng, group, 0)
        pltpu.sync_copy(zv, z_out.at[pl.ds(out0, rpw)])
        pltpu.sync_copy(wv, w_out.at[pl.ds(out0, rpw)])

    return sc_dense


def _tc_body(x_ref, m_ref, t_ref, out_ref):
    i = pl.program_id(0)
    br, c = x_ref.shape
    x = x_ref[...]
    t = t_ref[0, 0, :]
    mrow = m_ref[0, :]

    ones = jnp.ones((c, 1), jnp.float32)

    def msum(v):
        return jnp.dot(v, ones, preferred_element_type=jnp.float32)[:, 0]

    col = lax.broadcasted_iota(jnp.int32, (br, c), 1)
    tmask = col == t[:, None]
    p = msum(jnp.where(tmask, x, 0.0))
    bm = msum(jnp.where(tmask, mrow[None, :], 0.0))

    rmax = jnp.max(x, axis=1)
    expd = jnp.exp(_S * x - (_S * rmax)[:, None])
    e = msum(expd)
    t1 = msum(jnp.where(tmask, expd, 0.0))
    z = e - t1 + jnp.exp(_S * (p - bm - rmax))
    lossb = _S * rmax + jnp.log(z) - _S * (p - bm)

    part = jnp.sum(lossb)[None, None]

    @pl.when(i == 0)
    def _init():
        out_ref[...] = jnp.zeros((1, 1), jnp.float32)

    out_ref[...] += part


def _combine_body(z_ref, w_ref, part_ref, out_ref, *, b):
    lossb = jnp.log(z_ref[...]) + w_ref[...]
    out_ref[...] = ((jnp.sum(lossb) + part_ref[0, 0]) * (1.0 / b))[None, None]


def kernel(x, m_list, target):
    b, c = x.shape
    b_tc = b - _B_SC
    t32 = target.astype(jnp.int32)
    m128 = jnp.pad(m_list, (0, 128 - c))
    m2 = m_list.reshape(1, c)

    z, w = _make_sc_dense(b, c, _B_SC)(x, m128, t32)

    br = 4096
    nb = b_tc // br
    t3 = t32[:b_tc].reshape(nb, 1, br)
    part = pl.pallas_call(
        _tc_body,
        grid=(nb,),
        in_specs=[
            pl.BlockSpec((br, c), lambda i: (i, 0)),
            pl.BlockSpec((1, c), lambda i: (0, 0)),
            pl.BlockSpec((1, 1, br), lambda i: (i, 0, 0)),
        ],
        out_specs=pl.BlockSpec((1, 1), lambda i: (0, 0)),
        out_shape=jax.ShapeDtypeStruct((1, 1), jnp.float32),
    )(x, m2, t3)

    r = 8
    q = _B_SC // r
    out = pl.pallas_call(
        functools.partial(_combine_body, b=b),
        out_shape=jax.ShapeDtypeStruct((1, 1), jnp.float32),
    )(z.reshape(r, q), w.reshape(r, q), part)
    return out[0, 0]

# --- scband reference (transcript-rebuilt; emitter-appended) ---
"""Pipeline reference for scband-ldamloss-11553462026442 (READ-ONLY COPY).

The authoritative reference and input builder live on the scoring server;
editing this copy changes nothing except your own understanding.
"""

import jax, jax.numpy as jnp
import numpy as np

CLS_NUM_LIST = [500, 477, 456, 435, 416, 397, 379, 362, 346, 330, 315, 301, 288, 275, 262, 251, 239, 229, 218, 209, 199, 190, 182, 174, 166, 158, 151, 144, 138, 132, 126, 120, 115, 110, 105, 100, 96, 91, 87, 83, 80, 76, 73, 69, 66, 63, 60, 58, 55, 53, 50, 48, 46, 44, 42, 40, 38, 36, 35, 33, 32, 30, 29, 28, 26, 25, 24, 23, 22, 21, 20, 19, 18, 17, 17, 16, 15, 15, 14, 13, 13, 12, 12, 11, 11, 10, 10, 9, 9, 8, 8, 8, 7, 7, 7, 6, 6, 6, 5, 5]
MAX_M = 0.5
S = 30.0


def setup_inputs(seed: int = 0) -> dict:
    key = jax.random.key(seed)
    k1, k2 = jax.random.split(key)
    B, C = 16384, 100
    x = jax.random.normal(k1, (B, C), dtype=jnp.float32)
    target = jax.random.randint(k2, (B,), 0, C, dtype=jnp.int64 if jax.config.read('jax_enable_x64') else jnp.int32)
    counts = jnp.asarray(np.array(CLS_NUM_LIST, dtype=np.float32))
    m_list = 1.0 / jnp.sqrt(jnp.sqrt(counts))
    m_list = m_list * (MAX_M / jnp.max(m_list))
    return {"x": x, "m_list": m_list, "target": target}


def reference(x, m_list, target):
    B, C = x.shape
    # index = one-hot boolean mask via scatter-equivalent
    index = jnp.arange(C)[None, :] == target[:, None]
    # batch_m = m_list[target], broadcast across classes (gather)
    batch_m = jnp.take(m_list, target, axis=0)[:, None]
    x_m = x - batch_m * index.astype(x.dtype)
    output = jnp.where(index, x_m, x)
    logits = S * output
    # cross_entropy with mean reduction
    logZ = jax.nn.logsumexp(logits, axis=1)
    picked = jnp.take_along_axis(logits, target[:, None], axis=1)[:, 0]
    loss = jnp.mean(logZ - picked)
    return loss

if __name__ == "__main__":
    import jax
    _d = setup_inputs()
    print(jax.jit(kernel)(*tuple(_d.values())))

</pallas_src>

<mosaic_0001>
#map = affine_map<(d0, d1) -> (0, 0)>
#map1 = affine_map<(d0, d1) -> (0)>
module attributes {stable_mosaic.version = 14 : i64} {
  func.func @sc_dense(%arg0: i32, %arg1: i32, %arg2: memref<16384x100xf32, #tpu.memory_space<hbm>>, %arg3: memref<128xf32, #tpu.memory_space<hbm>>, %arg4: memref<16384xi32, #tpu.memory_space<hbm>>, %arg5: memref<4096xf32, #tpu.memory_space<hbm>>, %arg6: memref<4096xf32, #tpu.memory_space<hbm>>, %arg7: memref<128x100xf32, #tpu.memory_space<vmem>>, %arg8: memref<128xi32, #tpu.memory_space<vmem>>, %arg9: memref<128xf32, #tpu.memory_space<vmem>>, %arg10: memref<128xf32, #tpu.memory_space<vmem>>, %arg11: memref<128xf32, #tpu.memory_space<vmem>>) attributes {dimension_semantics = [#tpu.dimension_semantics<core_parallel>, #tpu.dimension_semantics<subcore_parallel>], iteration_bounds = array<i64: 2, 16>, scalar_prefetch = 0 : i64, scratch_operands = 5 : i64, tpu.core_type = #tpu.core_type<sc_vector_subcore>, window_params = [{transform_indices = #map}, {transform_indices = #map1}, {transform_indices = #map1}, {transform_indices = #map1}, {transform_indices = #map1}]} {
    %mul3A = arith.constant 2 : i32
    %mul3A_0 = arith.muli %arg1, %mul3A : i32
    %add3A = arith.addi %mul3A_0, %arg0 : i32
    %mul3A_1 = arith.constant 128 : i32
    %mul3A_2 = arith.muli %add3A, %mul3A_1 : i32
    %add3A_3 = arith.constant 12288 : i32
    %add3A_4 = arith.addi %add3A_3, %mul3A_2 : i32
    "tpu.region"() ({
      %run_scoped3A = tpu.sem_alloc : memref<!tpu.dma_semaphore, #tpu.memory_space<semaphore_mem>>
      %dma_start3A = arith.constant 0 : i32
      %dma_start3A_10 = tpu.memref_slice %arg2[%add3A_4, %dma_start3A] : memref<16384x100xf32, #tpu.memory_space<hbm>> -> memref<128x100xf32, #tpu.memory_space<hbm>>
      %dma_start3A_11 = arith.constant 0 : i32
      %dma_start3A_12 = tpu.memref_slice %arg2[%add3A_4, %dma_start3A_11] : memref<16384x100xf32, #tpu.memory_space<hbm>> -> memref<128x100xf32, #tpu.memory_space<hbm>>
      tpu.enqueue_dma source(%dma_start3A_12 : memref<128x100xf32, #tpu.memory_space<hbm>>) target(%arg7 : memref<128x100xf32, #tpu.memory_space<vmem>>) target_semaphore(%run_scoped3A : memref<!tpu.dma_semaphore, #tpu.memory_space<semaphore_mem>>)
      %dma_wait3A = arith.constant 0 : i32
      %dma_wait3A_13 = tpu.memref_slice %arg2[%add3A_4, %dma_wait3A] : memref<16384x100xf32, #tpu.memory_space<hbm>> -> memref<128x100xf32, #tpu.memory_space<hbm>>
      %dma_wait3A_14 = arith.constant 0 : i32
      %dma_wait3A_15 = tpu.memref_slice %arg2[%add3A_4, %dma_wait3A_14] : memref<16384x100xf32, #tpu.memory_space<hbm>> -> memref<128x100xf32, #tpu.memory_space<hbm>>
      tpu.wait_dma2 semaphore(%run_scoped3A : memref<!tpu.dma_semaphore, #tpu.memory_space<semaphore_mem>>) src(%dma_wait3A_15 : memref<128x100xf32, #tpu.memory_space<hbm>>) dst(%arg7 : memref<128x100xf32, #tpu.memory_space<vmem>>)
      tpu.yield
    }) : () -> ()
    "tpu.region"() ({
      %run_scoped3A = tpu.sem_alloc : memref<!tpu.dma_semaphore, #tpu.memory_space<semaphore_mem>>
      %dma_start3A = tpu.memref_slice %arg4[%add3A_4] : memref<16384xi32, #tpu.memory_space<hbm>> -> memref<128xi32, #tpu.memory_space<hbm>>
      %dma_start3A_10 = tpu.memref_slice %arg4[%add3A_4] : memref<16384xi32, #tpu.memory_space<hbm>> -> memref<128xi32, #tpu.memory_space<hbm>>
      tpu.enqueue_dma source(%dma_start3A_10 : memref<128xi32, #tpu.memory_space<hbm>>) target(%arg8 : memref<128xi32, #tpu.memory_space<vmem>>) target_semaphore(%run_scoped3A : memref<!tpu.dma_semaphore, #tpu.memory_space<semaphore_mem>>)
      %dma_wait3A = tpu.memref_slice %arg4[%add3A_4] : memref<16384xi32, #tpu.memory_space<hbm>> -> memref<128xi32, #tpu.memory_space<hbm>>
      %dma_wait3A_11 = tpu.memref_slice %arg4[%add3A_4] : memref<16384xi32, #tpu.memory_space<hbm>> -> memref<128xi32, #tpu.memory_space<hbm>>
      tpu.wait_dma2 semaphore(%run_scoped3A : memref<!tpu.dma_semaphore, #tpu.memory_space<semaphore_mem>>) src(%dma_wait3A_11 : memref<128xi32, #tpu.memory_space<hbm>>) dst(%arg8 : memref<128xi32, #tpu.memory_space<vmem>>)
      tpu.yield
    }) : () -> ()
    "tpu.region"() ({
      %run_scoped3A = tpu.sem_alloc : memref<!tpu.dma_semaphore, #tpu.memory_space<semaphore_mem>>
      tpu.enqueue_dma source(%arg3 : memref<128xf32, #tpu.memory_space<hbm>>) target(%arg9 : memref<128xf32, #tpu.memory_space<vmem>>) target_semaphore(%run_scoped3A : memref<!tpu.dma_semaphore, #tpu.memory_space<semaphore_mem>>)
      tpu.wait_dma2 semaphore(%run_scoped3A : memref<!tpu.dma_semaphore, #tpu.memory_space<semaphore_mem>>) src(%arg3 : memref<128xf32, #tpu.memory_space<hbm>>) dst(%arg9 : memref<128xf32, #tpu.memory_space<vmem>>)
      tpu.yield
    }) : () -> ()
    %iota3A = tpu.iota {dimensions = array<i32: 0>} : vector<16xi32>
    %scan3A = arith.constant 0 : i32
    %scan3A_5 = arith.constant 0 : i32
    %scan3A_6 = arith.constant 8 : i32
    %scan3A_7 = arith.addi %scan3A_5, %scan3A_6 : i32
    %scan3A_8 = arith.constant 1 : i32
    scf.for %scan3A_10 = %scan3A_5 to %scan3A_7 step %scan3A_8  : i32 {
      %mul3A_11 = arith.constant 16 : i32
      %mul3A_12 = arith.muli %scan3A_10, %mul3A_11 : i32
      %add3A_13 = vector.broadcast %mul3A_12 : i32 to vector<16xi32>
      %add3A_14 = arith.addi %add3A_13, %iota3A : vector<16xi32>
      %broadcast_in_dim3A = arith.constant 0 : i32
      %broadcast_in_dim3A_15 = vector.broadcast %broadcast_in_dim3A : i32 to vector<16xi32>
      %gather3A = tpu.vector_load_idx %arg7[%add3A_14, %broadcast_in_dim3A_15] : memref<128x100xf32, #tpu.memory_space<vmem>>[vector<16xi32>, vector<16xi32>], vector<16xf32>,
      %broadcast_in_dim3A_16 = arith.constant 1 : i32
      %broadcast_in_dim3A_17 = vector.broadcast %broadcast_in_dim3A_16 : i32 to vector<16xi32>
      %gather3A_18 = tpu.vector_load_idx %arg7[%add3A_14, %broadcast_in_dim3A_17] : memref<128x100xf32, #tpu.memory_space<vmem>>[vector<16xi32>, vector<16xi32>], vector<16xf32>,
      %max3A = arith.maximumf %gather3A, %gather3A_18 : vector<16xf32>
      %broadcast_in_dim3A_19 = arith.constant 2 : i32
      %broadcast_in_dim3A_20 = vector.broadcast %broadcast_in_dim3A_19 : i32 to vector<16xi32>
      %gather3A_21 = tpu.vector_load_idx %arg7[%add3A_14, %broadcast_in_dim3A_20] : memref<128x100xf32, #tpu.memory_space<vmem>>[vector<16xi32>, vector<16xi32>], vector<16xf32>,
      %max3A_22 = arith.maximumf %max3A, %gather3A_21 : vector<16xf32>
      %broadcast_in_dim3A_23 = arith.constant 3 : i32
      %broadcast_in_dim3A_24 = vector.broadcast %broadcast_in_dim3A_23 : i32 to vector<16xi32>
      %gather3A_25 = tpu.vector_load_idx %arg7[%add3A_14, %broadcast_in_dim3A_24] : memref<128x100xf32, #tpu.memory_space<vmem>>[vector<16xi32>, vector<16xi32>], vector<16xf32>,
      %max3A_26 = arith.maximumf %max3A_22, %gather3A_25 : vector<16xf32>
      %broadcast_in_dim3A_27 = arith.constant 4 : i32
      %broadcast_in_dim3A_28 = vector.broadcast %broadcast_in_dim3A_27 : i32 to vector<16xi32>
      %gather3A_29 = tpu.vector_load_idx %arg7[%add3A_14, %broadcast_in_dim3A_28] : memref<128x100xf32, #tpu.memory_space<vmem>>[vector<16xi32>, vector<16xi32>], vector<16xf32>,
      %max3A_30 = arith.maximumf %max3A_26, %gather3A_29 : vector<16xf32>
      %broadcast_in_dim3A_31 = arith.constant 5 : i32
      %broadcast_in_dim3A_32 = vector.broadcast %broadcast_in_dim3A_31 : i32 to vector<16xi32>
      %gather3A_33 = tpu.vector_load_idx %arg7[%add3A_14, %broadcast_in_dim3A_32] : memref<128x100xf32, #tpu.memory_space<vmem>>[vector<16xi32>, vector<16xi32>], vector<16xf32>,
      %max3A_34 = arith.maximumf %max3A_30, %gather3A_33 : vector<16xf32>
      %broadcast_in_dim3A_35 = arith.constant 6 : i32
      %broadcast_in_dim3A_36 = vector.broadcast %broadcast_in_dim3A_35 : i32 to vector<16xi32>
      %gather3A_37 = tpu.vector_load_idx %arg7[%add3A_14, %broadcast_in_dim3A_36] : memref<128x100xf32, #tpu.memory_space<vmem>>[vector<16xi32>, vector<16xi32>], vector<16xf32>,
      %max3A_38 = arith.maximumf %max3A_34, %gather3A_37 : vector<16xf32>
      %broadcast_in_dim3A_39 = arith.constant 7 : i32
      %broadcast_in_dim3A_40 = vector.broadcast %broadcast_in_dim3A_39 : i32 to vector<16xi32>
      %gather3A_41 = tpu.vector_load_idx %arg7[%add3A_14, %broadcast_in_dim3A_40] : memref<128x100xf32, #tpu.memory_space<vmem>>[vector<16xi32>, vector<16xi32>], vector<16xf32>,
      %max3A_42 = arith.maximumf %max3A_38, %gather3A_41 : vector<16xf32>
      %broadcast_in_dim3A_43 = arith.constant 8 : i32
      %broadcast_in_dim3A_44 = vector.broadcast %broadcast_in_dim3A_43 : i32 to vector<16xi32>
      %gather3A_45 = tpu.vector_load_idx %arg7[%add3A_14, %broadcast_in_dim3A_44] : memref<128x100xf32, #tpu.memory_space<vmem>>[vector<16xi32>, vector<16xi32>], vector<16xf32>,
      %max3A_46 = arith.maximumf %max3A_42, %gather3A_45 : vector<16xf32>
      %broadcast_in_dim3A_47 = arith.constant 9 : i32
      %broadcast_in_dim3A_48 = vector.broadcast %broadcast_in_dim3A_47 : i32 to vector<16xi32>
      %gather3A_49 = tpu.vector_load_idx %arg7[%add3A_14, %broadcast_in_dim3A_48] : memref<128x100xf32, #tpu.memory_space<vmem>>[vector<16xi32>, vector<16xi32>], vector<16xf32>,
      %max3A_50 = arith.maximumf %max3A_46, %gather3A_49 : vector<16xf32>
      %broadcast_in_dim3A_51 = arith.constant 10 : i32
      %broadcast_in_dim3A_52 = vector.broadcast %broadcast_in_dim3A_51 : i32 to vector<16xi32>
      %gather3A_53 = tpu.vector_load_idx %arg7[%add3A_14, %broadcast_in_dim3A_52] : memref<128x100xf32, #tpu.memory_space<vmem>>[vector<16xi32>, vector<16xi32>], vector<16xf32>,
      %max3A_54 = arith.maximumf %max3A_50, %gather3A_53 : vector<16xf32>
      %broadcast_in_dim3A_55 = arith.constant 11 : i32
      %broadcast_in_dim3A_56 = vector.broadcast %broadcast_in_dim3A_55 : i32 to vector<16xi32>
      %gather3A_57 = tpu.vector_load_idx %arg7[%add3A_14, %broadcast_in_dim3A_56] : memref<128x100xf32, #tpu.memory_space<vmem>>[vector<16xi32>, vector<16xi32>], vector<16xf32>,
      %max3A_58 = arith.maximumf %max3A_54, %gather3A_57 : vector<16xf32>
      %broadcast_in_dim3A_59 = arith.constant 12 : i32
      %broadcast_in_dim3A_60 = vector.broadcast %broadcast_in_dim3A_59 : i32 to vector<16xi32>
      %gather3A_61 = tpu.vector_load_idx %arg7[%add3A_14, %broadcast_in_dim3A_60] : memref<128x100xf32, #tpu.memory_space<vmem>>[vector<16xi32>, vector<16xi32>], vector<16xf32>,
      %max3A_62 = arith.maximumf %max3A_58, %gather3A_61 : vector<16xf32>
      %broadcast_in_dim3A_63 = arith.constant 13 : i32
      %broadcast_in_dim3A_64 = vector.broadcast %broadcast_in_dim3A_63 : i32 to vector<16xi32>
      %gather3A_65 = tpu.vector_load_idx %arg7[%add3A_14, %broadcast_in_dim3A_64] : memref<128x100xf32, #tpu.memory_space<vmem>>[vector<16xi32>, vector<16xi32>], vector<16xf32>,
      %max3A_66 = arith.maximumf %max3A_62, %gather3A_65 : vector<16xf32>
      %broadcast_in_dim3A_67 = arith.constant 14 : i32
      %broadcast_in_dim3A_68 = vector.broadcast %broadcast_in_dim3A_67 : i32 to vector<16xi32>
      %gather3A_69 = tpu.vector_load_idx %arg7[%add3A_14, %broadcast_in_dim3A_68] : memref<128x100xf32, #tpu.memory_space<vmem>>[vector<16xi32>, vector<16xi32>], vector<16xf32>,
      %max3A_70 = arith.maximumf %max3A_66, %gather3A_69 : vector<16xf32>
      %broadcast_in_dim3A_71 = arith.constant 15 : i32
      %broadcast_in_dim3A_72 = vector.broadcast %broadcast_in_dim3A_71 : i32 to vector<16xi32>
      %gather3A_73 = tpu.vector_load_idx %arg7[%add3A_14, %broadcast_in_dim3A_72] : memref<128x100xf32, #tpu.memory_space<vmem>>[vector<16xi32>, vector<16xi32>], vector<16xf32>,
      %max3A_74 = arith.maximumf %max3A_70, %gather3A_73 : vector<16xf32>
      %broadcast_in_dim3A_75 = arith.constant 16 : i32
      %broadcast_in_dim3A_76 = vector.broadcast %broadcast_in_dim3A_75 : i32 to vector<16xi32>
      %gather3A_77 = tpu.vector_load_idx %arg7[%add3A_14, %broadcast_in_dim3A_76] : memref<128x100xf32, #tpu.memory_space<vmem>>[vector<16xi32>, vector<16xi32>], vector<16xf32>,
      %max3A_78 = arith.maximumf %max3A_74, %gather3A_77 : vector<16xf32>
      %broadcast_in_dim3A_79 = arith.constant 17 : i32
      %broadcast_in_dim3A_80 = vector.broadcast %broadcast_in_dim3A_79 : i32 to vector<16xi32>
      %gather3A_81 = tpu.vector_load_idx %arg7[%add3A_14, %broadcast_in_dim3A_80] : memref<128x100xf32, #tpu.memory_space<vmem>>[vector<16xi32>, vector<16xi32>], vector<16xf32>,
      %max3A_82 = arith.maximumf %max3A_78, %gather3A_81 : vector<16xf32>
      %broadcast_in_dim3A_83 = arith.constant 18 : i32
      %broadcast_in_dim3A_84 = vector.broadcast %broadcast_in_dim3A_83 : i32 to vector<16xi32>
      %gather3A_85 = tpu.vector_load_idx %arg7[%add3A_14, %broadcast_in_dim3A_84] : memref<128x100xf32, #tpu.memory_space<vmem>>[vector<16xi32>, vector<16xi32>], vector<16xf32>,
      %max3A_86 = arith.maximumf %max3A_82, %gather3A_85 : vector<16xf32>
      %broadcast_in_dim3A_87 = arith.constant 19 : i32
      %broadcast_in_dim3A_88 = vector.broadcast %broadcast_in_dim3A_87 : i32 to vector<16xi32>
      %gather3A_89 = tpu.vector_load_idx %arg7[%add3A_14, %broadcast_in_dim3A_88] : memref<128x100xf32, #tpu.memory_space<vmem>>[vector<16xi32>, vector<16xi32>], vector<16xf32>,
      %max3A_90 = arith.maximumf %max3A_86, %gather3A_89 : vector<16xf32>
      %broadcast_in_dim3A_91 = arith.constant 20 : i32
      %broadcast_in_dim3A_92 = vector.broadcast %broadcast_in_dim3A_91 : i32 to vector<16xi32>
      %gather3A_93 = tpu.vector_load_idx %arg7[%add3A_14, %broadcast_in_dim3A_92] : memref<128x100xf32, #tpu.memory_space<vmem>>[vector<16xi32>, vector<16xi32>], vector<16xf32>,
      %max3A_94 = arith.maximumf %max3A_90, %gather3A_93 : vector<16xf32>
      %broadcast_in_dim3A_95 = arith.constant 21 : i32
      %broadcast_in_dim3A_96 = vector.broadcast %broadcast_in_dim3A_95 : i32 to vector<16xi32>
      %gather3A_97 = tpu.vector_load_idx %arg7[%add3A_14, %broadcast_in_dim3A_96] : memref<128x100xf32, #tpu.memory_space<vmem>>[vector<16xi32>, vector<16xi32>], vector<16xf32>,
      %max3A_98 = arith.maximumf %max3A_94, %gather3A_97 : vector<16xf32>
      %broadcast_in_dim3A_99 = arith.constant 22 : i32
      %broadcast_in_dim3A_100 = vector.broadcast %broadcast_in_dim3A_99 : i32 to vector<16xi32>
      %gather3A_101 = tpu.vector_load_idx %arg7[%add3A_14, %broadcast_in_dim3A_100] : memref<128x100xf32, #tpu.memory_space<vmem>>[vector<16xi32>, vector<16xi32>], vector<16xf32>,
      %max3A_102 = arith.maximumf %max3A_98, %gather3A_101 : vector<16xf32>
      %broadcast_in_dim3A_103 = arith.constant 23 : i32
      %broadcast_in_dim3A_104 = vector.broadcast %broadcast_in_dim3A_103 : i32 to vector<16xi32>
      %gather3A_105 = tpu.vector_load_idx %arg7[%add3A_14, %broadcast_in_dim3A_104] : memref<128x100xf32, #tpu.memory_space<vmem>>[vector<16xi32>, vector<16xi32>], vector<16xf32>,
      %max3A_106 = arith.maximumf %max3A_102, %gather3A_105 : vector<16xf32>
      %broadcast_in_dim3A_107 = arith.constant 24 : i32
      %broadcast_in_dim3A_108 = vector.broadcast %broadcast_in_dim3A_107 : i32 to vector<16xi32>
      %gather3A_109 = tpu.vector_load_idx %arg7[%add3A_14, %broadcast_in_dim3A_108] : memref<128x100xf32, #tpu.memory_space<vmem>>[vector<16xi32>, vector<16xi32>], vector<16xf32>,
      %max3A_110 = arith.maximumf %max3A_106, %gather3A_109 : vector<16xf32>
      %broadcast_in_dim3A_111 = arith.constant 25 : i32
      %broadcast_in_dim3A_112 = vector.broadcast %broadcast_in_dim3A_111 : i32 to vector<16xi32>
      %gather3A_113 = tpu.vector_load_idx %arg7[%add3A_14, %broadcast_in_dim3A_112] : memref<128x100xf32, #tpu.memory_space<vmem>>[vector<16xi32>, vector<16xi32>], vector<16xf32>,
      %max3A_114 = arith.maximumf %max3A_110, %gather3A_113 : vector<16xf32>
      %broadcast_in_dim3A_115 = arith.constant 26 : i32
      %broadcast_in_dim3A_116 = vector.broadcast %broadcast_in_dim3A_115 : i32 to vector<16xi32>
      %gather3A_117 = tpu.vector_load_idx %arg7[%add3A_14, %broadcast_in_dim3A_116] : memref<128x100xf32, #tpu.memory_space<vmem>>[vector<16xi32>, vector<16xi32>], vector<16xf32>,
      %max3A_118 = arith.maximumf %max3A_114, %gather3A_117 : vector<16xf32>
      %broadcast_in_dim3A_119 = arith.constant 27 : i32
      %broadcast_in_dim3A_120 = vector.broadcast %broadcast_in_dim3A_119 : i32 to vector<16xi32>
      %gather3A_121 = tpu.vector_load_idx %arg7[%add3A_14, %broadcast_in_dim3A_120] : memref<128x100xf32, #tpu.memory_space<vmem>>[vector<16xi32>, vector<16xi32>], vector<16xf32>,
      %max3A_122 = arith.maximumf %max3A_118, %gather3A_121 : vector<16xf32>
      %broadcast_in_dim3A_123 = arith.constant 28 : i32
      %broadcast_in_dim3A_124 = vector.broadcast %broadcast_in_dim3A_123 : i32 to vector<16xi32>
      %gather3A_125 = tpu.vector_load_idx %arg7[%add3A_14, %broadcast_in_dim3A_124] : memref<128x100xf32, #tpu.memory_space<vmem>>[vector<16xi32>, vector<16xi32>], vector<16xf32>,
      %max3A_126 = arith.maximumf %max3A_122, %gather3A_125 : vector<16xf32>
      %broadcast_in_dim3A_127 = arith.constant 29 : i32
      %broadcast_in_dim3A_128 = vector.broadcast %broadcast_in_dim3A_127 : i32 to vector<16xi32>
      %gather3A_129 = tpu.vector_load_idx %arg7[%add3A_14, %broadcast_in_dim3A_128] : memref<128x100xf32, #tpu.memory_space<vmem>>[vector<16xi32>, vector<16xi32>], vector<16xf32>,
      %max3A_130 = arith.maximumf %max3A_126, %gather3A_129 : vector<16xf32>
      %broadcast_in_dim3A_131 = arith.constant 30 : i32
      %broadcast_in_dim3A_132 = vector.broadcast %broadcast_in_dim3A_131 : i32 to vector<16xi32>
      %gather3A_133 = tpu.vector_load_idx %arg7[%add3A_14, %broadcast_in_dim3A_132] : memref<128x100xf32, #tpu.memory_space<vmem>>[vector<16xi32>, vector<16xi32>], vector<16xf32>,
      %max3A_134 = arith.maximumf %max3A_130, %gather3A_133 : vector<16xf32>
      %broadcast_in_dim3A_135 = arith.constant 31 : i32
      %broadcast_in_dim3A_136 = vector.broadcast %broadcast_in_dim3A_135 : i32 to vector<16xi32>
      %gather3A_137 = tpu.vector_load_idx %arg7[%add3A_14, %broadcast_in_dim3A_136] : memref<128x100xf32, #tpu.memory_space<vmem>>[vector<16xi32>, vector<16xi32>], vector<16xf32>,
      %max3A_138 = arith.maximumf %max3A_134, %gather3A_137 : vector<16xf32>
      %broadcast_in_dim3A_139 = arith.constant 32 : i32
      %broadcast_in_dim3A_140 = vector.broadcast %broadcast_in_dim3A_139 : i32 to vector<16xi32>
      %gather3A_141 = tpu.vector_load_idx %arg7[%add3A_14, %broadcast_in_dim3A_140] : memref<128x100xf32, #tpu.memory_space<vmem>>[vector<16xi32>, vector<16xi32>], vector<16xf32>,
      %max3A_142 = arith.maximumf %max3A_138, %gather3A_141 : vector<16xf32>
      %broadcast_in_dim3A_143 = arith.constant 33 : i32
      %broadcast_in_dim3A_144 = vector.broadcast %broadcast_in_dim3A_143 : i32 to vector<16xi32>
      %gather3A_145 = tpu.vector_load_idx %arg7[%add3A_14, %broadcast_in_dim3A_144] : memref<128x100xf32, #tpu.memory_space<vmem>>[vector<16xi32>, vector<16xi32>], vector<16xf32>,
      %max3A_146 = arith.maximumf %max3A_142, %gather3A_145 : vector<16xf32>
      %broadcast_in_dim3A_147 = arith.constant 34 : i32
      %broadcast_in_dim3A_148 = vector.broadcast %broadcast_in_dim3A_147 : i32 to vector<16xi32>
      %gather3A_149 = tpu.vector_load_idx %arg7[%add3A_14, %broadcast_in_dim3A_148] : memref<128x100xf32, #tpu.memory_space<vmem>>[vector<16xi32>, vector<16xi32>], vector<16xf32>,
      %max3A_150 = arith.maximumf %max3A_146, %gather3A_149 : vector<16xf32>
      %broadcast_in_dim3A_151 = arith.constant 35 : i32
      %broadcast_in_dim3A_152 = vector.broadcast %broadcast_in_dim3A_151 : i32 to vector<16xi32>
      %gather3A_153 = tpu.vector_load_idx %arg7[%add3A_14, %broadcast_in_dim3A_152] : memref<128x100xf32, #tpu.memory_space<vmem>>[vector<16xi32>, vector<16xi32>], vector<16xf32>,
      %max3A_154 = arith.maximumf %max3A_150, %gather3A_153 : vector<16xf32>
      %broadcast_in_dim3A_155 = arith.constant 36 : i32
      %broadcast_in_dim3A_156 = vector.broadcast %broadcast_in_dim3A_155 : i32 to vector<16xi32>
      %gather3A_157 = tpu.vector_load_idx %arg7[%add3A_14, %broadcast_in_dim3A_156] : memref<128x100xf32, #tpu.memory_space<vmem>>[vector<16xi32>, vector<16xi32>], vector<16xf32>,
      %max3A_158 = arith.maximumf %max3A_154, %gather3A_157 : vector<16xf32>
      %broadcast_in_dim3A_159 = arith.constant 37 : i32
      %broadcast_in_dim3A_160 = vector.broadcast %broadcast_in_dim3A_159 : i32 to vector<16xi32>
      %gather3A_161 = tpu.vector_load_idx %arg7[%add3A_14, %broadcast_in_dim3A_160] : memref<128x100xf32, #tpu.memory_space<vmem>>[vector<16xi32>, vector<16xi32>], vector<16xf32>,
      %max3A_162 = arith.maximumf %max3A_158, %gather3A_161 : vector<16xf32>
      %broadcast_in_dim3A_163 = arith.constant 38 : i32
      %broadcast_in_dim3A_164 = vector.broadcast %broadcast_in_dim3A_163 : i32 to vector<16xi32>
      %gather3A_165 = tpu.vector_load_idx %arg7[%add3A_14, %broadcast_in_dim3A_164] : memref<128x100xf32, #tpu.memory_space<vmem>>[vector<16xi32>, vector<16xi32>], vector<16xf32>,
      %max3A_166 = arith.maximumf %max3A_162, %gather3A_165 : vector<16xf32>
      %broadcast_in_dim3A_167 = arith.constant 39 : i32
      %broadcast_in_dim3A_168 = vector.broadcast %broadcast_in_dim3A_167 : i32 to vector<16xi32>
      %gather3A_169 = tpu.vector_load_idx %arg7[%add3A_14, %broadcast_in_dim3A_168] : memref<128x100xf32, #tpu.memory_space<vmem>>[vector<16xi32>, vector<16xi32>], vector<16xf32>,
      %max3A_170 = arith.maximumf %max3A_166, %gather3A_169 : vector<16xf32>
      %broadcast_in_dim3A_171 = arith.constant 40 : i32
      %broadcast_in_dim3A_172 = vector.broadcast %broadcast_in_dim3A_171 : i32 to vector<16xi32>
      %gather3A_173 = tpu.vector_load_idx %arg7[%add3A_14, %broadcast_in_dim3A_172] : memref<128x100xf32, #tpu.memory_space<vmem>>[vector<16xi32>, vector<16xi32>], vector<16xf32>,
      %max3A_174 = arith.maximumf %max3A_170, %gather3A_173 : vector<16xf32>
      %broadcast_in_dim3A_175 = arith.constant 41 : i32
      %broadcast_in_dim3A_176 = vector.broadcast %broadcast_in_dim3A_175 : i32 to vector<16xi32>
      %gather3A_177 = tpu.vector_load_idx %arg7[%add3A_14, %broadcast_in_dim3A_176] : memref<128x100xf32, #tpu.memory_space<vmem>>[vector<16xi32>, vector<16xi32>], vector<16xf32>,
      %max3A_178 = arith.maximumf %max3A_174, %gather3A_177 : vector<16xf32>
      %broadcast_in_dim3A_179 = arith.constant 42 : i32
      %broadcast_in_dim3A_180 = vector.broadcast %broadcast_in_dim3A_179 : i32 to vector<16xi32>
      %gather3A_181 = tpu.vector_load_idx %arg7[%add3A_14, %broadcast_in_dim3A_180] : memref<128x100xf32, #tpu.memory_space<vmem>>[vector<16xi32>, vector<16xi32>], vector<16xf32>,
      %max3A_182 = arith.maximumf %max3A_178, %gather3A_181 : vector<16xf32>
      %broadcast_in_dim3A_183 = arith.constant 43 : i32
      %broadcast_in_dim3A_184 = vector.broadcast %broadcast_in_dim3A_183 : i32 to vector<16xi32>
      %gather3A_185 = tpu.vector_load_idx %arg7[%add3A_14, %broadcast_in_dim3A_184] : memref<128x100xf32, #tpu.memory_space<vmem>>[vector<16xi32>, vector<16xi32>], vector<16xf32>,
      %max3A_186 = arith.maximumf %max3A_182, %gather3A_185 : vector<16xf32>
      %broadcast_in_dim3A_187 = arith.constant 44 : i32
      %broadcast_in_dim3A_188 = vector.broadcast %broadcast_in_dim3A_187 : i32 to vector<16xi32>
      %gather3A_189 = tpu.vector_load_idx %arg7[%add3A_14, %broadcast_in_dim3A_188] : memref<128x100xf32, #tpu.memory_space<vmem>>[vector<16xi32>, vector<16xi32>], vector<16xf32>,
      %max3A_190 = arith.maximumf %max3A_186, %gather3A_189 : vector<16xf32>
      %broadcast_in_dim3A_191 = arith.constant 45 : i32
      %broadcast_in_dim3A_192 = vector.broadcast %broadcast_in_dim3A_191 : i32 to vector<16xi32>
      %gather3A_193 = tpu.vector_load_idx %arg7[%add3A_14, %broadcast_in_dim3A_192] : memref<128x100xf32, #tpu.memory_space<vmem>>[vector<16xi32>, vector<16xi32>], vector<16xf32>,
      %max3A_194 = arith.maximumf %max3A_190, %gather3A_193 : vector<16xf32>
      %broadcast_in_dim3A_195 = arith.constant 46 : i32
      %broadcast_in_dim3A_196 = vector.broadcast %broadcast_in_dim3A_195 : i32 to vector<16xi32>
      %gather3A_197 = tpu.vector_load_idx %arg7[%add3A_14, %broadcast_in_dim3A_196] : memref<128x100xf32, #tpu.memory_space<vmem>>[vector<16xi32>, vector<16xi32>], vector<16xf32>,
      %max3A_198 = arith.maximumf %max3A_194, %gather3A_197 : vector<16xf32>
      %broadcast_in_dim3A_199 = arith.constant 47 : i32
      %broadcast_in_dim3A_200 = vector.broadcast %broadcast_in_dim3A_199 : i32 to vector<16xi32>
      %gather3A_201 = tpu.vector_load_idx %arg7[%add3A_14, %broadcast_in_dim3A_200] : memref<128x100xf32, #tpu.memory_space<vmem>>[vector<16xi32>, vector<16xi32>], vector<16xf32>,
      %max3A_202 = arith.maximumf %max3A_198, %gather3A_201 : vector<16xf32>
      %broadcast_in_dim3A_203 = arith.constant 48 : i32
      %broadcast_in_dim3A_204 = vector.broadcast %broadcast_in_dim3A_203 : i32 to vector<16xi32>
      %gather3A_205 = tpu.vector_load_idx %arg7[%add3A_14, %broadcast_in_dim3A_204] : memref<128x100xf32, #tpu.memory_space<vmem>>[vector<16xi32>, vector<16xi32>], vector<16xf32>,
      %max3A_206 = arith.maximumf %max3A_202, %gather3A_205 : vector<16xf32>
      %broadcast_in_dim3A_207 = arith.constant 49 : i32
      %broadcast_in_dim3A_208 = vector.broadcast %broadcast_in_dim3A_207 : i32 to vector<16xi32>
      %gather3A_209 = tpu.vector_load_idx %arg7[%add3A_14, %broadcast_in_dim3A_208] : memref<128x100xf32, #tpu.memory_space<vmem>>[vector<16xi32>, vector<16xi32>], vector<16xf32>,
      %max3A_210 = arith.maximumf %max3A_206, %gather3A_209 : vector<16xf32>
      %broadcast_in_dim3A_211 = arith.constant 50 : i32
      %broadcast_in_dim3A_212 = vector.broadcast %broadcast_in_dim3A_211 : i32 to vector<16xi32>
      %gather3A_213 = tpu.vector_load_idx %arg7[%add3A_14, %broadcast_in_dim3A_212] : memref<128x100xf32, #tpu.memory_space<vmem>>[vector<16xi32>, vector<16xi32>], vector<16xf32>,
      %max3A_214 = arith.maximumf %max3A_210, %gather3A_213 : vector<16xf32>
      %broadcast_in_dim3A_215 = arith.constant 51 : i32
      %broadcast_in_dim3A_216 = vector.broadcast %broadcast_in_dim3A_215 : i32 to vector<16xi32>
      %gather3A_217 = tpu.vector_load_idx %arg7[%add3A_14, %broadcast_in_dim3A_216] : memref<128x100xf32, #tpu.memory_space<vmem>>[vector<16xi32>, vector<16xi32>], vector<16xf32>,
      %max3A_218 = arith.maximumf %max3A_214, %gather3A_217 : vector<16xf32>
      %broadcast_in_dim3A_219 = arith.constant 52 : i32
      %broadcast_in_dim3A_220 = vector.broadcast %broadcast_in_dim3A_219 : i32 to vector<16xi32>
      %gather3A_221 = tpu.vector_load_idx %arg7[%add3A_14, %broadcast_in_dim3A_220] : memref<128x100xf32, #tpu.memory_space<vmem>>[vector<16xi32>, vector<16xi32>], vector<16xf32>,
      %max3A_222 = arith.maximumf %max3A_218, %gather3A_221 : vector<16xf32>
      %broadcast_in_dim3A_223 = arith.constant 53 : i32
      %broadcast_in_dim3A_224 = vector.broadcast %broadcast_in_dim3A_223 : i32 to vector<16xi32>
      %gather3A_225 = tpu.vector_load_idx %arg7[%add3A_14, %broadcast_in_dim3A_224] : memref<128x100xf32, #tpu.memory_space<vmem>>[vector<16xi32>, vector<16xi32>], vector<16xf32>,
      %max3A_226 = arith.maximumf %max3A_222, %gather3A_225 : vector<16xf32>
      %broadcast_in_dim3A_227 = arith.constant 54 : i32
      %broadcast_in_dim3A_228 = vector.broadcast %broadcast_in_dim3A_227 : i32 to vector<16xi32>
      %gather3A_229 = tpu.vector_load_idx %arg7[%add3A_14, %broadcast_in_dim3A_228] : memref<128x100xf32, #tpu.memory_space<vmem>>[vector<16xi32>, vector<16xi32>], vector<16xf32>,
      %max3A_230 = arith.maximumf %max3A_226, %gather3A_229 : vector<16xf32>
      %broadcast_in_dim3A_231 = arith.constant 55 : i32
      %broadcast_in_dim3A_232 = vector.broadcast %broadcast_in_dim3A_231 : i32 to vector<16xi32>
      %gather3A_233 = tpu.vector_load_idx %arg7[%add3A_14, %broadcast_in_dim3A_232] : memref<128x100xf32, #tpu.memory_space<vmem>>[vector<16xi32>, vector<16xi32>], vector<16xf32>,
      %max3A_234 = arith.maximumf %max3A_230, %gather3A_233 : vector<16xf32>
      %broadcast_in_dim3A_235 = arith.constant 56 : i32
      %broadcast_in_dim3A_236 = vector.broadcast %broadcast_in_dim3A_235 : i32 to vector<16xi32>
      %gather3A_237 = tpu.vector_load_idx %arg7[%add3A_14, %broadcast_in_dim3A_236] : memref<128x100xf32, #tpu.memory_space<vmem>>[vector<16xi32>, vector<16xi32>], vector<16xf32>,
      %max3A_238 = arith.maximumf %max3A_234, %gather3A_237 : vector<16xf32>
      %broadcast_in_dim3A_239 = arith.constant 57 : i32
      %broadcast_in_dim3A_240 = vector.broadcast %broadcast_in_dim3A_239 : i32 to vector<16xi32>
      %gather3A_241 = tpu.vector_load_idx %arg7[%add3A_14, %broadcast_in_dim3A_240] : memref<128x100xf32, #tpu.memory_space<vmem>>[vector<16xi32>, vector<16xi32>], vector<16xf32>,
      %max3A_242 = arith.maximumf %max3A_238, %gather3A_241 : vector<16xf32>
      %broadcast_in_dim3A_243 = arith.constant 58 : i32
      %broadcast_in_dim3A_244 = vector.broadcast %broadcast_in_dim3A_243 : i32 to vector<16xi32>
      %gather3A_245 = tpu.vector_load_idx %arg7[%add3A_14, %broadcast_in_dim3A_244] : memref<128x100xf32, #tpu.memory_space<vmem>>[vector<16xi32>, vector<16xi32>], vector<16xf32>,
      %max3A_246 = arith.maximumf %max3A_242, %gather3A_245 : vector<16xf32>
      %broadcast_in_dim3A_247 = arith.constant 59 : i32
      %broadcast_in_dim3A_248 = vector.broadcast %broadcast_in_dim3A_247 : i32 to vector<16xi32>
      %gather3A_249 = tpu.vector_load_idx %arg7[%add3A_14, %broadcast_in_dim3A_248] : memref<128x100xf32, #tpu.memory_space<vmem>>[vector<16xi32>, vector<16xi32>], vector<16xf32>,
      %max3A_250 = arith.maximumf %max3A_246, %gather3A_249 : vector<16xf32>
      %broadcast_in_dim3A_251 = arith.constant 60 : i32
      %broadcast_in_dim3A_252 = vector.broadcast %broadcast_in_dim3A_251 : i32 to vector<16xi32>
      %gather3A_253 = tpu.vector_load_idx %arg7[%add3A_14, %broadcast_in_dim3A_252] : memref<128x100xf32, #tpu.memory_space<vmem>>[vector<16xi32>, vector<16xi32>], vector<16xf32>,
      %max3A_254 = arith.maximumf %max3A_250, %gather3A_253 : vector<16xf32>
      %broadcast_in_dim3A_255 = arith.constant 61 : i32
      %broadcast_in_dim3A_256 = vector.broadcast %broadcast_in_dim3A_255 : i32 to vector<16xi32>
      %gather3A_257 = tpu.vector_load_idx %arg7[%add3A_14, %broadcast_in_dim3A_256] : memref<128x100xf32, #tpu.memory_space<vmem>>[vector<16xi32>, vector<16xi32>], vector<16xf32>,
      %max3A_258 = arith.maximumf %max3A_254, %gather3A_257 : vector<16xf32>
      %broadcast_in_dim3A_259 = arith.constant 62 : i32
      %broadcast_in_dim3A_260 = vector.broadcast %broadcast_in_dim3A_259 : i32 to vector<16xi32>
      %gather3A_261 = tpu.vector_load_idx %arg7[%add3A_14, %broadcast_in_dim3A_260] : memref<128x100xf32, #tpu.memory_space<vmem>>[vector<16xi32>, vector<16xi32>], vector<16xf32>,
      %max3A_262 = arith.maximumf %max3A_258, %gather3A_261 : vector<16xf32>
      %broadcast_in_dim3A_263 = arith.constant 63 : i32
      %broadcast_in_dim3A_264 = vector.broadcast %broadcast_in_dim3A_263 : i32 to vector<16xi32>
      %gather3A_265 = tpu.vector_load_idx %arg7[%add3A_14, %broadcast_in_dim3A_264] : memref<128x100xf32, #tpu.memory_space<vmem>>[vector<16xi32>, vector<16xi32>], vector<16xf32>,
      %max3A_266 = arith.maximumf %max3A_262, %gather3A_265 : vector<16xf32>
      %broadcast_in_dim3A_267 = arith.constant 64 : i32
      %broadcast_in_dim3A_268 = vector.broadcast %broadcast_in_dim3A_267 : i32 to vector<16xi32>
      %gather3A_269 = tpu.vector_load_idx %arg7[%add3A_14, %broadcast_in_dim3A_268] : memref<128x100xf32, #tpu.memory_space<vmem>>[vector<16xi32>, vector<16xi32>], vector<16xf32>,
      %max3A_270 = arith.maximumf %max3A_266, %gather3A_269 : vector<16xf32>
      %broadcast_in_dim3A_271 = arith.constant 65 : i32
      %broadcast_in_dim3A_272 = vector.broadcast %broadcast_in_dim3A_271 : i32 to vector<16xi32>
      %gather3A_273 = tpu.vector_load_idx %arg7[%add3A_14, %broadcast_in_dim3A_272] : memref<128x100xf32, #tpu.memory_space<vmem>>[vector<16xi32>, vector<16xi32>], vector<16xf32>,
      %max3A_274 = arith.maximumf %max3A_270, %gather3A_273 : vector<16xf32>
      %broadcast_in_dim3A_275 = arith.constant 66 : i32
      %broadcast_in_dim3A_276 = vector.broadcast %broadcast_in_dim3A_275 : i32 to vector<16xi32>
      %gather3A_277 = tpu.vector_load_idx %arg7[%add3A_14, %broadcast_in_dim3A_276] : memref<128x100xf32, #tpu.memory_space<vmem>>[vector<16xi32>, vector<16xi32>], vector<16xf32>,
      %max3A_278 = arith.maximumf %max3A_274, %gather3A_277 : vector<16xf32>
      %broadcast_in_dim3A_279 = arith.constant 67 : i32
      %broadcast_in_dim3A_280 = vector.broadcast %broadcast_in_dim3A_279 : i32 to vector<16xi32>
      %gather3A_281 = tpu.vector_load_idx %arg7[%add3A_14, %broadcast_in_dim3A_280] : memref<128x100xf32, #tpu.memory_space<vmem>>[vector<16xi32>, vector<16xi32>], vector<16xf32>,
      %max3A_282 = arith.maximumf %max3A_278, %gather3A_281 : vector<16xf32>
      %broadcast_in_dim3A_283 = arith.constant 68 : i32
      %broadcast_in_dim3A_284 = vector.broadcast %broadcast_in_dim3A_283 : i32 to vector<16xi32>
      %gather3A_285 = tpu.vector_load_idx %arg7[%add3A_14, %broadcast_in_dim3A_284] : memref<128x100xf32, #tpu.memory_space<vmem>>[vector<16xi32>, vector<16xi32>], vector<16xf32>,
      %max3A_286 = arith.maximumf %max3A_282, %gather3A_285 : vector<16xf32>
      %broadcast_in_dim3A_287 = arith.constant 69 : i32
      %broadcast_in_dim3A_288 = vector.broadcast %broadcast_in_dim3A_287 : i32 to vector<16xi32>
      %gather3A_289 = tpu.vector_load_idx %arg7[%add3A_14, %broadcast_in_dim3A_288] : memref<128x100xf32, #tpu.memory_space<vmem>>[vector<16xi32>, vector<16xi32>], vector<16xf32>,
      %max3A_290 = arith.maximumf %max3A_286, %gather3A_289 : vector<16xf32>
      %broadcast_in_dim3A_291 = arith.constant 70 : i32
      %broadcast_in_dim3A_292 = vector.broadcast %broadcast_in_dim3A_291 : i32 to vector<16xi32>
      %gather3A_293 = tpu.vector_load_idx %arg7[%add3A_14, %broadcast_in_dim3A_292] : memref<128x100xf32, #tpu.memory_space<vmem>>[vector<16xi32>, vector<16xi32>], vector<16xf32>,
      %max3A_294 = arith.maximumf %max3A_290, %gather3A_293 : vector<16xf32>
      %broadcast_in_dim3A_295 = arith.constant 71 : i32
      %broadcast_in_dim3A_296 = vector.broadcast %broadcast_in_dim3A_295 : i32 to vector<16xi32>
      %gather3A_297 = tpu.vector_load_idx %arg7[%add3A_14, %broadcast_in_dim3A_296] : memref<128x100xf32, #tpu.memory_space<vmem>>[vector<16xi32>, vector<16xi32>], vector<16xf32>,
      %max3A_298 = arith.maximumf %max3A_294, %gather3A_297 : vector<16xf32>
      %broadcast_in_dim3A_299 = arith.constant 72 : i32
      %broadcast_in_dim3A_300 = vector.broadcast %broadcast_in_dim3A_299 : i32 to vector<16xi32>
      %gather3A_301 = tpu.vector_load_idx %arg7[%add3A_14, %broadcast_in_dim3A_300] : memref<128x100xf32, #tpu.memory_space<vmem>>[vector<16xi32>, vector<16xi32>], vector<16xf32>,
      %max3A_302 = arith.maximumf %max3A_298, %gather3A_301 : vector<16xf32>
      %broadcast_in_dim3A_303 = arith.constant 73 : i32
      %broadcast_in_dim3A_304 = vector.broadcast %broadcast_in_dim3A_303 : i32 to vector<16xi32>
      %gather3A_305 = tpu.vector_load_idx %arg7[%add3A_14, %broadcast_in_dim3A_304] : memref<128x100xf32, #tpu.memory_space<vmem>>[vector<16xi32>, vector<16xi32>], vector<16xf32>,
      %max3A_306 = arith.maximumf %max3A_302, %gather3A_305 : vector<16xf32>
      %broadcast_in_dim3A_307 = arith.constant 74 : i32
      %broadcast_in_dim3A_308 = vector.broadcast %broadcast_in_dim3A_307 : i32 to vector<16xi32>
      %gather3A_309 = tpu.vector_load_idx %arg7[%add3A_14, %broadcast_in_dim3A_308] : memref<128x100xf32, #tpu.memory_space<vmem>>[vector<16xi32>, vector<16xi32>], vector<16xf32>,
      %max3A_310 = arith.maximumf %max3A_306, %gather3A_309 : vector<16xf32>
      %broadcast_in_dim3A_311 = arith.constant 75 : i32
      %broadcast_in_dim3A_312 = vector.broadcast %broadcast_in_dim3A_311 : i32 to vector<16xi32>
      %gather3A_313 = tpu.vector_load_idx %arg7[%add3A_14, %broadcast_in_dim3A_312] : memref<128x100xf32, #tpu.memory_space<vmem>>[vector<16xi32>, vector<16xi32>], vector<16xf32>,
      %max3A_314 = arith.maximumf %max3A_310, %gather3A_313 : vector<16xf32>
      %broadcast_in_dim3A_315 = arith.constant 76 : i32
      %broadcast_in_dim3A_316 = vector.broadcast %broadcast_in_dim3A_315 : i32 to vector<16xi32>
      %gather3A_317 = tpu.vector_load_idx %arg7[%add3A_14, %broadcast_in_dim3A_316] : memref<128x100xf32, #tpu.memory_space<vmem>>[vector<16xi32>, vector<16xi32>], vector<16xf32>,
      %max3A_318 = arith.maximumf %max3A_314, %gather3A_317 : vector<16xf32>
      %broadcast_in_dim3A_319 = arith.constant 77 : i32
      %broadcast_in_dim3A_320 = vector.broadcast %broadcast_in_dim3A_319 : i32 to vector<16xi32>
      %gather3A_321 = tpu.vector_load_idx %arg7[%add3A_14, %broadcast_in_dim3A_320] : memref<128x100xf32, #tpu.memory_space<vmem>>[vector<16xi32>, vector<16xi32>], vector<16xf32>,
      %max3A_322 = arith.maximumf %max3A_318, %gather3A_321 : vector<16xf32>
      %broadcast_in_dim3A_323 = arith.constant 78 : i32
      %broadcast_in_dim3A_324 = vector.broadcast %broadcast_in_dim3A_323 : i32 to vector<16xi32>
      %gather3A_325 = tpu.vector_load_idx %arg7[%add3A_14, %broadcast_in_dim3A_324] : memref<128x100xf32, #tpu.memory_space<vmem>>[vector<16xi32>, vector<16xi32>], vector<16xf32>,
      %max3A_326 = arith.maximumf %max3A_322, %gather3A_325 : vector<16xf32>
      %broadcast_in_dim3A_327 = arith.constant 79 : i32
      %broadcast_in_dim3A_328 = vector.broadcast %broadcast_in_dim3A_327 : i32 to vector<16xi32>
      %gather3A_329 = tpu.vector_load_idx %arg7[%add3A_14, %broadcast_in_dim3A_328] : memref<128x100xf32, #tpu.memory_space<vmem>>[vector<16xi32>, vector<16xi32>], vector<16xf32>,
      %max3A_330 = arith.maximumf %max3A_326, %gather3A_329 : vector<16xf32>
      %broadcast_in_dim3A_331 = arith.constant 80 : i32
      %broadcast_in_dim3A_332 = vector.broadcast %broadcast_in_dim3A_331 : i32 to vector<16xi32>
      %gather3A_333 = tpu.vector_load_idx %arg7[%add3A_14, %broadcast_in_dim3A_332] : memref<128x100xf32, #tpu.memory_space<vmem>>[vector<16xi32>, vector<16xi32>], vector<16xf32>,
      %max3A_334 = arith.maximumf %max3A_330, %gather3A_333 : vector<16xf32>
      %broadcast_in_dim3A_335 = arith.constant 81 : i32
      %broadcast_in_dim3A_336 = vector.broadcast %broadcast_in_dim3A_335 : i32 to vector<16xi32>
      %gather3A_337 = tpu.vector_load_idx %arg7[%add3A_14, %broadcast_in_dim3A_336] : memref<128x100xf32, #tpu.memory_space<vmem>>[vector<16xi32>, vector<16xi32>], vector<16xf32>,
      %max3A_338 = arith.maximumf %max3A_334, %gather3A_337 : vector<16xf32>
      %broadcast_in_dim3A_339 = arith.constant 82 : i32
      %broadcast_in_dim3A_340 = vector.broadcast %broadcast_in_dim3A_339 : i32 to vector<16xi32>
      %gather3A_341 = tpu.vector_load_idx %arg7[%add3A_14, %broadcast_in_dim3A_340] : memref<128x100xf32, #tpu.memory_space<vmem>>[vector<16xi32>, vector<16xi32>], vector<16xf32>,
      %max3A_342 = arith.maximumf %max3A_338, %gather3A_341 : vector<16xf32>
      %broadcast_in_dim3A_343 = arith.constant 83 : i32
      %broadcast_in_dim3A_344 = vector.broadcast %broadcast_in_dim3A_343 : i32 to vector<16xi32>
      %gather3A_345 = tpu.vector_load_idx %arg7[%add3A_14, %broadcast_in_dim3A_344] : memref<128x100xf32, #tpu.memory_space<vmem>>[vector<16xi32>, vector<16xi32>], vector<16xf32>,
      %max3A_346 = arith.maximumf %max3A_342, %gather3A_345 : vector<16xf32>
      %broadcast_in_dim3A_347 = arith.constant 84 : i32
      %broadcast_in_dim3A_348 = vector.broadcast %broadcast_in_dim3A_347 : i32 to vector<16xi32>
      %gather3A_349 = tpu.vector_load_idx %arg7[%add3A_14, %broadcast_in_dim3A_348] : memref<128x100xf32, #tpu.memory_space<vmem>>[vector<16xi32>, vector<16xi32>], vector<16xf32>,
      %max3A_350 = arith.maximumf %max3A_346, %gather3A_349 : vector<16xf32>
      %broadcast_in_dim3A_351 = arith.constant 85 : i32
      %broadcast_in_dim3A_352 = vector.broadcast %broadcast_in_dim3A_351 : i32 to vector<16xi32>
      %gather3A_353 = tpu.vector_load_idx %arg7[%add3A_14, %broadcast_in_dim3A_352] : memref<128x100xf32, #tpu.memory_space<vmem>>[vector<16xi32>, vector<16xi32>], vector<16xf32>,
      %max3A_354 = arith.maximumf %max3A_350, %gather3A_353 : vector<16xf32>
      %broadcast_in_dim3A_355 = arith.constant 86 : i32
      %broadcast_in_dim3A_356 = vector.broadcast %broadcast_in_dim3A_355 : i32 to vector<16xi32>
      %gather3A_357 = tpu.vector_load_idx %arg7[%add3A_14, %broadcast_in_dim3A_356] : memref<128x100xf32, #tpu.memory_space<vmem>>[vector<16xi32>, vector<16xi32>], vector<16xf32>,
      %max3A_358 = arith.maximumf %max3A_354, %gather3A_357 : vector<16xf32>
      %broadcast_in_dim3A_359 = arith.constant 87 : i32
      %broadcast_in_dim3A_360 = vector.broadcast %broadcast_in_dim3A_359 : i32 to vector<16xi32>
      %gather3A_361 = tpu.vector_load_idx %arg7[%add3A_14, %broadcast_in_dim3A_360] : memref<128x100xf32, #tpu.memory_space<vmem>>[vector<16xi32>, vector<16xi32>], vector<16xf32>,
      %max3A_362 = arith.maximumf %max3A_358, %gather3A_361 : vector<16xf32>
      %broadcast_in_dim3A_363 = arith.constant 88 : i32
      %broadcast_in_dim3A_364 = vector.broadcast %broadcast_in_dim3A_363 : i32 to vector<16xi32>
      %gather3A_365 = tpu.vector_load_idx %arg7[%add3A_14, %broadcast_in_dim3A_364] : memref<128x100xf32, #tpu.memory_space<vmem>>[vector<16xi32>, vector<16xi32>], vector<16xf32>,
      %max3A_366 = arith.maximumf %max3A_362, %gather3A_365 : vector<16xf32>
      %broadcast_in_dim3A_367 = arith.constant 89 : i32
      %broadcast_in_dim3A_368 = vector.broadcast %broadcast_in_dim3A_367 : i32 to vector<16xi32>
      %gather3A_369 = tpu.vector_load_idx %arg7[%add3A_14, %broadcast_in_dim3A_368] : memref<128x100xf32, #tpu.memory_space<vmem>>[vector<16xi32>, vector<16xi32>], vector<16xf32>,
      %max3A_370 = arith.maximumf %max3A_366, %gather3A_369 : vector<16xf32>
      %broadcast_in_dim3A_371 = arith.constant 90 : i32
      %broadcast_in_dim3A_372 = vector.broadcast %broadcast_in_dim3A_371 : i32 to vector<16xi32>
      %gather3A_373 = tpu.vector_load_idx %arg7[%add3A_14, %broadcast_in_dim3A_372] : memref<128x100xf32, #tpu.memory_space<vmem>>[vector<16xi32>, vector<16xi32>], vector<16xf32>,
      %max3A_374 = arith.maximumf %max3A_370, %gather3A_373 : vector<16xf32>
      %broadcast_in_dim3A_375 = arith.constant 91 : i32
      %broadcast_in_dim3A_376 = vector.broadcast %broadcast_in_dim3A_375 : i32 to vector<16xi32>
      %gather3A_377 = tpu.vector_load_idx %arg7[%add3A_14, %broadcast_in_dim3A_376] : memref<128x100xf32, #tpu.memory_space<vmem>>[vector<16xi32>, vector<16xi32>], vector<16xf32>,
      %max3A_378 = arith.maximumf %max3A_374, %gather3A_377 : vector<16xf32>
      %broadcast_in_dim3A_379 = arith.constant 92 : i32
      %broadcast_in_dim3A_380 = vector.broadcast %broadcast_in_dim3A_379 : i32 to vector<16xi32>
      %gather3A_381 = tpu.vector_load_idx %arg7[%add3A_14, %broadcast_in_dim3A_380] : memref<128x100xf32, #tpu.memory_space<vmem>>[vector<16xi32>, vector<16xi32>], vector<16xf32>,
      %max3A_382 = arith.maximumf %max3A_378, %gather3A_381 : vector<16xf32>
      %broadcast_in_dim3A_383 = arith.constant 93 : i32
      %broadcast_in_dim3A_384 = vector.broadcast %broadcast_in_dim3A_383 : i32 to vector<16xi32>
      %gather3A_385 = tpu.vector_load_idx %arg7[%add3A_14, %broadcast_in_dim3A_384] : memref<128x100xf32, #tpu.memory_space<vmem>>[vector<16xi32>, vector<16xi32>], vector<16xf32>,
      %max3A_386 = arith.maximumf %max3A_382, %gather3A_385 : vector<16xf32>
      %broadcast_in_dim3A_387 = arith.constant 94 : i32
      %broadcast_in_dim3A_388 = vector.broadcast %broadcast_in_dim3A_387 : i32 to vector<16xi32>
      %gather3A_389 = tpu.vector_load_idx %arg7[%add3A_14, %broadcast_in_dim3A_388] : memref<128x100xf32, #tpu.memory_space<vmem>>[vector<16xi32>, vector<16xi32>], vector<16xf32>,
      %max3A_390 = arith.maximumf %max3A_386, %gather3A_389 : vector<16xf32>
      %broadcast_in_dim3A_391 = arith.constant 95 : i32
      %broadcast_in_dim3A_392 = vector.broadcast %broadcast_in_dim3A_391 : i32 to vector<16xi32>
      %gather3A_393 = tpu.vector_load_idx %arg7[%add3A_14, %broadcast_in_dim3A_392] : memref<128x100xf32, #tpu.memory_space<vmem>>[vector<16xi32>, vector<16xi32>], vector<16xf32>,
      %max3A_394 = arith.maximumf %max3A_390, %gather3A_393 : vector<16xf32>
      %broadcast_in_dim3A_395 = arith.constant 96 : i32
      %broadcast_in_dim3A_396 = vector.broadcast %broadcast_in_dim3A_395 : i32 to vector<16xi32>
      %gather3A_397 = tpu.vector_load_idx %arg7[%add3A_14, %broadcast_in_dim3A_396] : memref<128x100xf32, #tpu.memory_space<vmem>>[vector<16xi32>, vector<16xi32>], vector<16xf32>,
      %max3A_398 = arith.maximumf %max3A_394, %gather3A_397 : vector<16xf32>
      %broadcast_in_dim3A_399 = arith.constant 97 : i32
      %broadcast_in_dim3A_400 = vector.broadcast %broadcast_in_dim3A_399 : i32 to vector<16xi32>
      %gather3A_401 = tpu.vector_load_idx %arg7[%add3A_14, %broadcast_in_dim3A_400] : memref<128x100xf32, #tpu.memory_space<vmem>>[vector<16xi32>, vector<16xi32>], vector<16xf32>,
      %max3A_402 = arith.maximumf %max3A_398, %gather3A_401 : vector<16xf32>
      %broadcast_in_dim3A_403 = arith.constant 98 : i32
      %broadcast_in_dim3A_404 = vector.broadcast %broadcast_in_dim3A_403 : i32 to vector<16xi32>
      %gather3A_405 = tpu.vector_load_idx %arg7[%add3A_14, %broadcast_in_dim3A_404] : memref<128x100xf32, #tpu.memory_space<vmem>>[vector<16xi32>, vector<16xi32>], vector<16xf32>,
      %max3A_406 = arith.maximumf %max3A_402, %gather3A_405 : vector<16xf32>
      %broadcast_in_dim3A_407 = arith.constant 99 : i32
      %broadcast_in_dim3A_408 = vector.broadcast %broadcast_in_dim3A_407 : i32 to vector<16xi32>
      %gather3A_409 = tpu.vector_load_idx %arg7[%add3A_14, %broadcast_in_dim3A_408] : memref<128x100xf32, #tpu.memory_space<vmem>>[vector<16xi32>, vector<16xi32>], vector<16xf32>,
      %max3A_410 = arith.maximumf %max3A_406, %gather3A_409 : vector<16xf32>
      %broadcast_in_dim3A_411 = arith.constant 0.000000e+00 : f32
      %broadcast_in_dim3A_412 = vector.broadcast %broadcast_in_dim3A_411 : f32 to vector<16xf32>
      %broadcast_in_dim3A_413 = arith.constant 0 : i32
      %broadcast_in_dim3A_414 = vector.broadcast %broadcast_in_dim3A_413 : i32 to vector<16xi32>
      %gather3A_415 = tpu.vector_load_idx %arg7[%add3A_14, %broadcast_in_dim3A_414] : memref<128x100xf32, #tpu.memory_space<vmem>>[vector<16xi32>, vector<16xi32>], vector<16xf32>,
      %sub3A = arith.subf %gather3A_415, %max3A_410 : vector<16xf32>
      %mul3A_416 = arith.constant 3.000000e+01 : f32
      %mul3A_417 = vector.broadcast %mul3A_416 : f32 to vector<16xf32>
      %mul3A_418 = arith.mulf %sub3A, %mul3A_417 : vector<16xf32>
      %exp3A = math.exp %mul3A_418 : vector<16xf32>
      %add3A_419 = arith.addf %broadcast_in_dim3A_412, %exp3A : vector<16xf32>
      %broadcast_in_dim3A_420 = arith.constant 1 : i32
      %broadcast_in_dim3A_421 = vector.broadcast %broadcast_in_dim3A_420 : i32 to vector<16xi32>
      %gather3A_422 = tpu.vector_load_idx %arg7[%add3A_14, %broadcast_in_dim3A_421] : memref<128x100xf32, #tpu.memory_space<vmem>>[vector<16xi32>, vector<16xi32>], vector<16xf32>,
      %sub3A_423 = arith.subf %gather3A_422, %max3A_410 : vector<16xf32>
      %mul3A_424 = arith.constant 3.000000e+01 : f32
      %mul3A_425 = vector.broadcast %mul3A_424 : f32 to vector<16xf32>
      %mul3A_426 = arith.mulf %sub3A_423, %mul3A_425 : vector<16xf32>
      %exp3A_427 = math.exp %mul3A_426 : vector<16xf32>
      %add3A_428 = arith.addf %add3A_419, %exp3A_427 : vector<16xf32>
      %broadcast_in_dim3A_429 = arith.constant 2 : i32
      %broadcast_in_dim3A_430 = vector.broadcast %broadcast_in_dim3A_429 : i32 to vector<16xi32>
      %gather3A_431 = tpu.vector_load_idx %arg7[%add3A_14, %broadcast_in_dim3A_430] : memref<128x100xf32, #tpu.memory_space<vmem>>[vector<16xi32>, vector<16xi32>], vector<16xf32>,
      %sub3A_432 = arith.subf %gather3A_431, %max3A_410 : vector<16xf32>
      %mul3A_433 = arith.constant 3.000000e+01 : f32
      %mul3A_434 = vector.broadcast %mul3A_433 : f32 to vector<16xf32>
      %mul3A_435 = arith.mulf %sub3A_432, %mul3A_434 : vector<16xf32>
      %exp3A_436 = math.exp %mul3A_435 : vector<16xf32>
      %add3A_437 = arith.addf %add3A_428, %exp3A_436 : vector<16xf32>
      %broadcast_in_dim3A_438 = arith.constant 3 : i32
      %broadcast_in_dim3A_439 = vector.broadcast %broadcast_in_dim3A_438 : i32 to vector<16xi32>
      %gather3A_440 = tpu.vector_load_idx %arg7[%add3A_14, %broadcast_in_dim3A_439] : memref<128x100xf32, #tpu.memory_space<vmem>>[vector<16xi32>, vector<16xi32>], vector<16xf32>,
      %sub3A_441 = arith.subf %gather3A_440, %max3A_410 : vector<16xf32>
      %mul3A_442 = arith.constant 3.000000e+01 : f32
      %mul3A_443 = vector.broadcast %mul3A_442 : f32 to vector<16xf32>
      %mul3A_444 = arith.mulf %sub3A_441, %mul3A_443 : vector<16xf32>
      %exp3A_445 = math.exp %mul3A_444 : vector<16xf32>
      %add3A_446 = arith.addf %add3A_437, %exp3A_445 : vector<16xf32>
      %broadcast_in_dim3A_447 = arith.constant 4 : i32
      %broadcast_in_dim3A_448 = vector.broadcast %broadcast_in_dim3A_447 : i32 to vector<16xi32>
      %gather3A_449 = tpu.vector_load_idx %arg7[%add3A_14, %broadcast_in_dim3A_448] : memref<128x100xf32, #tpu.memory_space<vmem>>[vector<16xi32>, vector<16xi32>], vector<16xf32>,
      %sub3A_450 = arith.subf %gather3A_449, %max3A_410 : vector<16xf32>
      %mul3A_451 = arith.constant 3.000000e+01 : f32
      %mul3A_452 = vector.broadcast %mul3A_451 : f32 to vector<16xf32>
      %mul3A_453 = arith.mulf %sub3A_450, %mul3A_452 : vector<16xf32>
      %exp3A_454 = math.exp %mul3A_453 : vector<16xf32>
      %add3A_455 = arith.addf %add3A_446, %exp3A_454 : vector<16xf32>
      %broadcast_in_dim3A_456 = arith.constant 5 : i32
      %broadcast_in_dim3A_457 = vector.broadcast %broadcast_in_dim3A_456 : i32 to vector<16xi32>
      %gather3A_458 = tpu.vector_load_idx %arg7[%add3A_14, %broadcast_in_dim3A_457] : memref<128x100xf32, #tpu.memory_space<vmem>>[vector<16xi32>, vector<16xi32>], vector<16xf32>,
      %sub3A_459 = arith.subf %gather3A_458, %max3A_410 : vector<16xf32>
      %mul3A_460 = arith.constant 3.000000e+01 : f32
      %mul3A_461 = vector.broadcast %mul3A_460 : f32 to vector<16xf32>
      %mul3A_462 = arith.mulf %sub3A_459, %mul3A_461 : vector<16xf32>
      %exp3A_463 = math.exp %mul3A_462 : vector<16xf32>
      %add3A_464 = arith.addf %add3A_455, %exp3A_463 : vector<16xf32>
      %broadcast_in_dim3A_465 = arith.constant 6 : i32
      %broadcast_in_dim3A_466 = vector.broadcast %broadcast_in_dim3A_465 : i32 to vector<16xi32>
      %gather3A_467 = tpu.vector_load_idx %arg7[%add3A_14, %broadcast_in_dim3A_466] : memref<128x100xf32, #tpu.memory_space<vmem>>[vector<16xi32>, vector<16xi32>], vector<16xf32>,
      %sub3A_468 = arith.subf %gather3A_467, %max3A_410 : vector<16xf32>
      %mul3A_469 = arith.constant 3.000000e+01 : f32
      %mul3A_470 = vector.broadcast %mul3A_469 : f32 to vector<16xf32>
      %mul3A_471 = arith.mulf %sub3A_468, %mul3A_470 : vector<16xf32>
      %exp3A_472 = math.exp %mul3A_471 : vector<16xf32>
      %add3A_473 = arith.addf %add3A_464, %exp3A_472 : vector<16xf32>
      %broadcast_in_dim3A_474 = arith.constant 7 : i32
      %broadcast_in_dim3A_475 = vector.broadcast %broadcast_in_dim3A_474 : i32 to vector<16xi32>
      %gather3A_476 = tpu.vector_load_idx %arg7[%add3A_14, %broadcast_in_dim3A_475] : memref<128x100xf32, #tpu.memory_space<vmem>>[vector<16xi32>, vector<16xi32>], vector<16xf32>,
      %sub3A_477 = arith.subf %gather3A_476, %max3A_410 : vector<16xf32>
      %mul3A_478 = arith.constant 3.000000e+01 : f32
      %mul3A_479 = vector.broadcast %mul3A_478 : f32 to vector<16xf32>
      %mul3A_480 = arith.mulf %sub3A_477, %mul3A_479 : vector<16xf32>
      %exp3A_481 = math.exp %mul3A_480 : vector<16xf32>
      %add3A_482 = arith.addf %add3A_473, %exp3A_481 : vector<16xf32>
      %broadcast_in_dim3A_483 = arith.constant 8 : i32
      %broadcast_in_dim3A_484 = vector.broadcast %broadcast_in_dim3A_483 : i32 to vector<16xi32>
      %gather3A_485 = tpu.vector_load_idx %arg7[%add3A_14, %broadcast_in_dim3A_484] : memref<128x100xf32, #tpu.memory_space<vmem>>[vector<16xi32>, vector<16xi32>], vector<16xf32>,
      %sub3A_486 = arith.subf %gather3A_485, %max3A_410 : vector<16xf32>
      %mul3A_487 = arith.constant 3.000000e+01 : f32
      %mul3A_488 = vector.broadcast %mul3A_487 : f32 to vector<16xf32>
      %mul3A_489 = arith.mulf %sub3A_486, %mul3A_488 : vector<16xf32>
      %exp3A_490 = math.exp %mul3A_489 : vector<16xf32>
      %add3A_491 = arith.addf %add3A_482, %exp3A_490 : vector<16xf32>
      %broadcast_in_dim3A_492 = arith.constant 9 : i32
      %broadcast_in_dim3A_493 = vector.broadcast %broadcast_in_dim3A_492 : i32 to vector<16xi32>
      %gather3A_494 = tpu.vector_load_idx %arg7[%add3A_14, %broadcast_in_dim3A_493] : memref<128x100xf32, #tpu.memory_space<vmem>>[vector<16xi32>, vector<16xi32>], vector<16xf32>,
      %sub3A_495 = arith.subf %gather3A_494, %max3A_410 : vector<16xf32>
      %mul3A_496 = arith.constant 3.000000e+01 : f32
      %mul3A_497 = vector.broadcast %mul3A_496 : f32 to vector<16xf32>
      %mul3A_498 = arith.mulf %sub3A_495, %mul3A_497 : vector<16xf32>
      %exp3A_499 = math.exp %mul3A_498 : vector<16xf32>
      %add3A_500 = arith.addf %add3A_491, %exp3A_499 : vector<16xf32>
      %broadcast_in_dim3A_501 = arith.constant 10 : i32
      %broadcast_in_dim3A_502 = vector.broadcast %broadcast_in_dim3A_501 : i32 to vector<16xi32>
      %gather3A_503 = tpu.vector_load_idx %arg7[%add3A_14, %broadcast_in_dim3A_502] : memref<128x100xf32, #tpu.memory_space<vmem>>[vector<16xi32>, vector<16xi32>], vector<16xf32>,
      %sub3A_504 = arith.subf %gather3A_503, %max3A_410 : vector<16xf32>
      %mul3A_505 = arith.constant 3.000000e+01 : f32
      %mul3A_506 = vector.broadcast %mul3A_505 : f32 to vector<16xf32>
      %mul3A_507 = arith.mulf %sub3A_504, %mul3A_506 : vector<16xf32>
      %exp3A_508 = math.exp %mul3A_507 : vector<16xf32>
      %add3A_509 = arith.addf %add3A_500, %exp3A_508 : vector<16xf32>
      %broadcast_in_dim3A_510 = arith.constant 11 : i32
      %broadcast_in_dim3A_511 = vector.broadcast %broadcast_in_dim3A_510 : i32 to vector<16xi32>
      %gather3A_512 = tpu.vector_load_idx %arg7[%add3A_14, %broadcast_in_dim3A_511] : memref<128x100xf32, #tpu.memory_space<vmem>>[vector<16xi32>, vector<16xi32>], vector<16xf32>,
      %sub3A_513 = arith.subf %gather3A_512, %max3A_410 : vector<16xf32>
      %mul3A_514 = arith.constant 3.000000e+01 : f32
      %mul3A_515 = vector.broadcast %mul3A_514 : f32 to vector<16xf32>
      %mul3A_516 = arith.mulf %sub3A_513, %mul3A_515 : vector<16xf32>
      %exp3A_517 = math.exp %mul3A_516 : vector<16xf32>
      %add3A_518 = arith.addf %add3A_509, %exp3A_517 : vector<16xf32>
      %broadcast_in_dim3A_519 = arith.constant 12 : i32
      %broadcast_in_dim3A_520 = vector.broadcast %broadcast_in_dim3A_519 : i32 to vector<16xi32>
      %gather3A_521 = tpu.vector_load_idx %arg7[%add3A_14, %broadcast_in_dim3A_520] : memref<128x100xf32, #tpu.memory_space<vmem>>[vector<16xi32>, vector<16xi32>], vector<16xf32>,
      %sub3A_522 = arith.subf %gather3A_521, %max3A_410 : vector<16xf32>
      %mul3A_523 = arith.constant 3.000000e+01 : f32
      %mul3A_524 = vector.broadcast %mul3A_523 : f32 to vector<16xf32>
      %mul3A_525 = arith.mulf %sub3A_522, %mul3A_524 : vector<16xf32>
      %exp3A_526 = math.exp %mul3A_525 : vector<16xf32>
      %add3A_527 = arith.addf %add3A_518, %exp3A_526 : vector<16xf32>
      %broadcast_in_dim3A_528 = arith.constant 13 : i32
      %broadcast_in_dim3A_529 = vector.broadcast %broadcast_in_dim3A_528 : i32 to vector<16xi32>
      %gather3A_530 = tpu.vector_load_idx %arg7[%add3A_14, %broadcast_in_dim3A_529] : memref<128x100xf32, #tpu.memory_space<vmem>>[vector<16xi32>, vector<16xi32>], vector<16xf32>,
      %sub3A_531 = arith.subf %gather3A_530, %max3A_410 : vector<16xf32>
      %mul3A_532 = arith.constant 3.000000e+01 : f32
      %mul3A_533 = vector.broadcast %mul3A_532 : f32 to vector<16xf32>
      %mul3A_534 = arith.mulf %sub3A_531, %mul3A_533 : vector<16xf32>
      %exp3A_535 = math.exp %mul3A_534 : vector<16xf32>
      %add3A_536 = arith.addf %add3A_527, %exp3A_535 : vector<16xf32>
      %broadcast_in_dim3A_537 = arith.constant 14 : i32
      %broadcast_in_dim3A_538 = vector.broadcast %broadcast_in_dim3A_537 : i32 to vector<16xi32>
      %gather3A_539 = tpu.vector_load_idx %arg7[%add3A_14, %broadcast_in_dim3A_538] : memref<128x100xf32, #tpu.memory_space<vmem>>[vector<16xi32>, vector<16xi32>], vector<16xf32>,
      %sub3A_540 = arith.subf %gather3A_539, %max3A_410 : vector<16xf32>
      %mul3A_541 = arith.constant 3.000000e+01 : f32
      %mul3A_542 = vector.broadcast %mul3A_541 : f32 to vector<16xf32>
      %mul3A_543 = arith.mulf %sub3A_540, %mul3A_542 : vector<16xf32>
      %exp3A_544 = math.exp %mul3A_543 : vector<16xf32>
      %add3A_545 = arith.addf %add3A_536, %exp3A_544 : vector<16xf32>
      %broadcast_in_dim3A_546 = arith.constant 15 : i32
      %broadcast_in_dim3A_547 = vector.broadcast %broadcast_in_dim3A_546 : i32 to vector<16xi32>
      %gather3A_548 = tpu.vector_load_idx %arg7[%add3A_14, %broadcast_in_dim3A_547] : memref<128x100xf32, #tpu.memory_space<vmem>>[vector<16xi32>, vector<16xi32>], vector<16xf32>,
      %sub3A_549 = arith.subf %gather3A_548, %max3A_410 : vector<16xf32>
      %mul3A_550 = arith.constant 3.000000e+01 : f32
      %mul3A_551 = vector.broadcast %mul3A_550 : f32 to vector<16xf32>
      %mul3A_552 = arith.mulf %sub3A_549, %mul3A_551 : vector<16xf32>
      %exp3A_553 = math.exp %mul3A_552 : vector<16xf32>
      %add3A_554 = arith.addf %add3A_545, %exp3A_553 : vector<16xf32>
      %broadcast_in_dim3A_555 = arith.constant 16 : i32
      %broadcast_in_dim3A_556 = vector.broadcast %broadcast_in_dim3A_555 : i32 to vector<16xi32>
      %gather3A_557 = tpu.vector_load_idx %arg7[%add3A_14, %broadcast_in_dim3A_556] : memref<128x100xf32, #tpu.memory_space<vmem>>[vector<16xi32>, vector<16xi32>], vector<16xf32>,
      %sub3A_558 = arith.subf %gather3A_557, %max3A_410 : vector<16xf32>
      %mul3A_559 = arith.constant 3.000000e+01 : f32
      %mul3A_560 = vector.broadcast %mul3A_559 : f32 to vector<16xf32>
      %mul3A_561 = arith.mulf %sub3A_558, %mul3A_560 : vector<16xf32>
      %exp3A_562 = math.exp %mul3A_561 : vector<16xf32>
      %add3A_563 = arith.addf %add3A_554, %exp3A_562 : vector<16xf32>
      %broadcast_in_dim3A_564 = arith.constant 17 : i32
      %broadcast_in_dim3A_565 = vector.broadcast %broadcast_in_dim3A_564 : i32 to vector<16xi32>
      %gather3A_566 = tpu.vector_load_idx %arg7[%add3A_14, %broadcast_in_dim3A_565] : memref<128x100xf32, #tpu.memory_space<vmem>>[vector<16xi32>, vector<16xi32>], vector<16xf32>,
      %sub3A_567 = arith.subf %gather3A_566, %max3A_410 : vector<16xf32>
      %mul3A_568 = arith.constant 3.000000e+01 : f32
      %mul3A_569 = vector.broadcast %mul3A_568 : f32 to vector<16xf32>
      %mul3A_570 = arith.mulf %sub3A_567, %mul3A_569 : vector<16xf32>
      %exp3A_571 = math.exp %mul3A_570 : vector<16xf32>
      %add3A_572 = arith.addf %add3A_563, %exp3A_571 : vector<16xf32>
      %broadcast_in_dim3A_573 = arith.constant 18 : i32
      %broadcast_in_dim3A_574 = vector.broadcast %broadcast_in_dim3A_573 : i32 to vector<16xi32>
      %gather3A_575 = tpu.vector_load_idx %arg7[%add3A_14, %broadcast_in_dim3A_574] : memref<128x100xf32, #tpu.memory_space<vmem>>[vector<16xi32>, vector<16xi32>], vector<16xf32>,
      %sub3A_576 = arith.subf %gather3A_575, %max3A_410 : vector<16xf32>
      %mul3A_577 = arith.constant 3.000000e+01 : f32
      %mul3A_578 = vector.broadcast %mul3A_577 : f32 to vector<16xf32>
      %mul3A_579 = arith.mulf %sub3A_576, %mul3A_578 : vector<16xf32>
      %exp3A_580 = math.exp %mul3A_579 : vector<16xf32>
      %add3A_581 = arith.addf %add3A_572, %exp3A_580 : vector<16xf32>
      %broadcast_in_dim3A_582 = arith.constant 19 : i32
      %broadcast_in_dim3A_583 = vector.broadcast %broadcast_in_dim3A_582 : i32 to vector<16xi32>
      %gather3A_584 = tpu.vector_load_idx %arg7[%add3A_14, %broadcast_in_dim3A_583] : memref<128x100xf32, #tpu.memory_space<vmem>>[vector<16xi32>, vector<16xi32>], vector<16xf32>,
      %sub3A_585 = arith.subf %gather3A_584, %max3A_410 : vector<16xf32>
      %mul3A_586 = arith.constant 3.000000e+01 : f32
      %mul3A_587 = vector.broadcast %mul3A_586 : f32 to vector<16xf32>
      %mul3A_588 = arith.mulf %sub3A_585, %mul3A_587 : vector<16xf32>
      %exp3A_589 = math.exp %mul3A_588 : vector<16xf32>
      %add3A_590 = arith.addf %add3A_581, %exp3A_589 : vector<16xf32>
      %broadcast_in_dim3A_591 = arith.constant 20 : i32
      %broadcast_in_dim3A_592 = vector.broadcast %broadcast_in_dim3A_591 : i32 to vector<16xi32>
      %gather3A_593 = tpu.vector_load_idx %arg7[%add3A_14, %broadcast_in_dim3A_592] : memref<128x100xf32, #tpu.memory_space<vmem>>[vector<16xi32>, vector<16xi32>], vector<16xf32>,
      %sub3A_594 = arith.subf %gather3A_593, %max3A_410 : vector<16xf32>
      %mul3A_595 = arith.constant 3.000000e+01 : f32
      %mul3A_596 = vector.broadcast %mul3A_595 : f32 to vector<16xf32>
      %mul3A_597 = arith.mulf %sub3A_594, %mul3A_596 : vector<16xf32>
      %exp3A_598 = math.exp %mul3A_597 : vector<16xf32>
      %add3A_599 = arith.addf %add3A_590, %exp3A_598 : vector<16xf32>
      %broadcast_in_dim3A_600 = arith.constant 21 : i32
      %broadcast_in_dim3A_601 = vector.broadcast %broadcast_in_dim3A_600 : i32 to vector<16xi32>
      %gather3A_602 = tpu.vector_load_idx %arg7[%add3A_14, %broadcast_in_dim3A_601] : memref<128x100xf32, #tpu.memory_space<vmem>>[vector<16xi32>, vector<16xi32>], vector<16xf32>,
      %sub3A_603 = arith.subf %gather3A_602, %max3A_410 : vector<16xf32>
      %mul3A_604 = arith.constant 3.000000e+01 : f32
      %mul3A_605 = vector.broadcast %mul3A_604 : f32 to vector<16xf32>
      %mul3A_606 = arith.mulf %sub3A_603, %mul3A_605 : vector<16xf32>
      %exp3A_607 = math.exp %mul3A_606 : vector<16xf32>
      %add3A_608 = arith.addf %add3A_599, %exp3A_607 : vector<16xf32>
      %broadcast_in_dim3A_609 = arith.constant 22 : i32
      %broadcast_in_dim3A_610 = vector.broadcast %broadcast_in_dim3A_609 : i32 to vector<16xi32>
      %gather3A_611 = tpu.vector_load_idx %arg7[%add3A_14, %broadcast_in_dim3A_610] : memref<128x100xf32, #tpu.memory_space<vmem>>[vector<16xi32>, vector<16xi32>], vector<16xf32>,
      %sub3A_612 = arith.subf %gather3A_611, %max3A_410 : vector<16xf32>
      %mul3A_613 = arith.constant 3.000000e+01 : f32
      %mul3A_614 = vector.broadcast %mul3A_613 : f32 to vector<16xf32>
      %mul3A_615 = arith.mulf %sub3A_612, %mul3A_614 : vector<16xf32>
      %exp3A_616 = math.exp %mul3A_615 : vector<16xf32>
      %add3A_617 = arith.addf %add3A_608, %exp3A_616 : vector<16xf32>
      %broadcast_in_dim3A_618 = arith.constant 23 : i32
      %broadcast_in_dim3A_619 = vector.broadcast %broadcast_in_dim3A_618 : i32 to vector<16xi32>
      %gather3A_620 = tpu.vector_load_idx %arg7[%add3A_14, %broadcast_in_dim3A_619] : memref<128x100xf32, #tpu.memory_space<vmem>>[vector<16xi32>, vector<16xi32>], vector<16xf32>,
      %sub3A_621 = arith.subf %gather3A_620, %max3A_410 : vector<16xf32>
      %mul3A_622 = arith.constant 3.000000e+01 : f32
      %mul3A_623 = vector.broadcast %mul3A_622 : f32 to vector<16xf32>
      %mul3A_624 = arith.mulf %sub3A_621, %mul3A_623 : vector<16xf32>
      %exp3A_625 = math.exp %mul3A_624 : vector<16xf32>
      %add3A_626 = arith.addf %add3A_617, %exp3A_625 : vector<16xf32>
      %broadcast_in_dim3A_627 = arith.constant 24 : i32
      %broadcast_in_dim3A_628 = vector.broadcast %broadcast_in_dim3A_627 : i32 to vector<16xi32>
      %gather3A_629 = tpu.vector_load_idx %arg7[%add3A_14, %broadcast_in_dim3A_628] : memref<128x100xf32, #tpu.memory_space<vmem>>[vector<16xi32>, vector<16xi32>], vector<16xf32>,
      %sub3A_630 = arith.subf %gather3A_629, %max3A_410 : vector<16xf32>
      %mul3A_631 = arith.constant 3.000000e+01 : f32
      %mul3A_632 = vector.broadcast %mul3A_631 : f32 to vector<16xf32>
      %mul3A_633 = arith.mulf %sub3A_630, %mul3A_632 : vector<16xf32>
      %exp3A_634 = math.exp %mul3A_633 : vector<16xf32>
      %add3A_635 = arith.addf %add3A_626, %exp3A_634 : vector<16xf32>
      %broadcast_in_dim3A_636 = arith.constant 25 : i32
      %broadcast_in_dim3A_637 = vector.broadcast %broadcast_in_dim3A_636 : i32 to vector<16xi32>
      %gather3A_638 = tpu.vector_load_idx %arg7[%add3A_14, %broadcast_in_dim3A_637] : memref<128x100xf32, #tpu.memory_space<vmem>>[vector<16xi32>, vector<16xi32>], vector<16xf32>,
      %sub3A_639 = arith.subf %gather3A_638, %max3A_410 : vector<16xf32>
      %mul3A_640 = arith.constant 3.000000e+01 : f32
      %mul3A_641 = vector.broadcast %mul3A_640 : f32 to vector<16xf32>
      %mul3A_642 = arith.mulf %sub3A_639, %mul3A_641 : vector<16xf32>
      %exp3A_643 = math.exp %mul3A_642 : vector<16xf32>
      %add3A_644 = arith.addf %add3A_635, %exp3A_643 : vector<16xf32>
      %broadcast_in_dim3A_645 = arith.constant 26 : i32
      %broadcast_in_dim3A_646 = vector.broadcast %broadcast_in_dim3A_645 : i32 to vector<16xi32>
      %gather3A_647 = tpu.vector_load_idx %arg7[%add3A_14, %broadcast_in_dim3A_646] : memref<128x100xf32, #tpu.memory_space<vmem>>[vector<16xi32>, vector<16xi32>], vector<16xf32>,
      %sub3A_648 = arith.subf %gather3A_647, %max3A_410 : vector<16xf32>
      %mul3A_649 = arith.constant 3.000000e+01 : f32
      %mul3A_650 = vector.broadcast %mul3A_649 : f32 to vector<16xf32>
      %mul3A_651 = arith.mulf %sub3A_648, %mul3A_650 : vector<16xf32>
      %exp3A_652 = math.exp %mul3A_651 : vector<16xf32>
      %add3A_653 = arith.addf %add3A_644, %exp3A_652 : vector<16xf32>
      %broadcast_in_dim3A_654 = arith.constant 27 : i32
      %broadcast_in_dim3A_655 = vector.broadcast %broadcast_in_dim3A_654 : i32 to vector<16xi32>
      %gather3A_656 = tpu.vector_load_idx %arg7[%add3A_14, %broadcast_in_dim3A_655] : memref<128x100xf32, #tpu.memory_space<vmem>>[vector<16xi32>, vector<16xi32>], vector<16xf32>,
      %sub3A_657 = arith.subf %gather3A_656, %max3A_410 : vector<16xf32>
      %mul3A_658 = arith.constant 3.000000e+01 : f32
      %mul3A_659 = vector.broadcast %mul3A_658 : f32 to vector<16xf32>
      %mul3A_660 = arith.mulf %sub3A_657, %mul3A_659 : vector<16xf32>
      %exp3A_661 = math.exp %mul3A_660 : vector<16xf32>
      %add3A_662 = arith.addf %add3A_653, %exp3A_661 : vector<16xf32>
      %broadcast_in_dim3A_663 = arith.constant 28 : i32
      %broadcast_in_dim3A_664 = vector.broadcast %broadcast_in_dim3A_663 : i32 to vector<16xi32>
      %gather3A_665 = tpu.vector_load_idx %arg7[%add3A_14, %broadcast_in_dim3A_664] : memref<128x100xf32, #tpu.memory_space<vmem>>[vector<16xi32>, vector<16xi32>], vector<16xf32>,
      %sub3A_666 = arith.subf %gather3A_665, %max3A_410 : vector<16xf32>
      %mul3A_667 = arith.constant 3.000000e+01 : f32
      %mul3A_668 = vector.broadcast %mul3A_667 : f32 to vector<16xf32>
      %mul3A_669 = arith.mulf %sub3A_666, %mul3A_668 : vector<16xf32>
      %exp3A_670 = math.exp %mul3A_669 : vector<16xf32>
      %add3A_671 = arith.addf %add3A_662, %exp3A_670 : vector<16xf32>
      %broadcast_in_dim3A_672 = arith.constant 29 : i32
      %broadcast_in_dim3A_673 = vector.broadcast %broadcast_in_dim3A_672 : i32 to vector<16xi32>
      %gather3A_674 = tpu.vector_load_idx %arg7[%add3A_14, %broadcast_in_dim3A_673] : memref<128x100xf32, #tpu.memory_space<vmem>>[vector<16xi32>, vector<16xi32>], vector<16xf32>,
      %sub3A_675 = arith.subf %gather3A_674, %max3A_410 : vector<16xf32>
      %mul3A_676 = arith.constant 3.000000e+01 : f32
      %mul3A_677 = vector.broadcast %mul3A_676 : f32 to vector<16xf32>
      %mul3A_678 = arith.mulf %sub3A_675, %mul3A_677 : vector<16xf32>
      %exp3A_679 = math.exp %mul3A_678 : vector<16xf32>
      %add3A_680 = arith.addf %add3A_671, %exp3A_679 : vector<16xf32>
      %broadcast_in_dim3A_681 = arith.constant 30 : i32
      %broadcast_in_dim3A_682 = vector.broadcast %broadcast_in_dim3A_681 : i32 to vector<16xi32>
      %gather3A_683 = tpu.vector_load_idx %arg7[%add3A_14, %broadcast_in_dim3A_682] : memref<128x100xf32, #tpu.memory_space<vmem>>[vector<16xi32>, vector<16xi32>], vector<16xf32>,
      %sub3A_684 = arith.subf %gather3A_683, %max3A_410 : vector<16xf32>
      %mul3A_685 = arith.constant 3.000000e+01 : f32
      %mul3A_686 = vector.broadcast %mul3A_685 : f32 to vector<16xf32>
      %mul3A_687 = arith.mulf %sub3A_684, %mul3A_686 : vector<16xf32>
      %exp3A_688 = math.exp %mul3A_687 : vector<16xf32>
      %add3A_689 = arith.addf %add3A_680, %exp3A_688 : vector<16xf32>
      %broadcast_in_dim3A_690 = arith.constant 31 : i32
      %broadcast_in_dim3A_691 = vector.broadcast %broadcast_in_dim3A_690 : i32 to vector<16xi32>
      %gather3A_692 = tpu.vector_load_idx %arg7[%add3A_14, %broadcast_in_dim3A_691] : memref<128x100xf32, #tpu.memory_space<vmem>>[vector<16xi32>, vector<16xi32>], vector<16xf32>,
      %sub3A_693 = arith.subf %gather3A_692, %max3A_410 : vector<16xf32>
      %mul3A_694 = arith.constant 3.000000e+01 : f32
      %mul3A_695 = vector.broadcast %mul3A_694 : f32 to vector<16xf32>
      %mul3A_696 = arith.mulf %sub3A_693, %mul3A_695 : vector<16xf32>
      %exp3A_697 = math.exp %mul3A_696 : vector<16xf32>
      %add3A_698 = arith.addf %add3A_689, %exp3A_697 : vector<16xf32>
      %broadcast_in_dim3A_699 = arith.constant 32 : i32
      %broadcast_in_dim3A_700 = vector.broadcast %broadcast_in_dim3A_699 : i32 to vector<16xi32>
      %gather3A_701 = tpu.vector_load_idx %arg7[%add3A_14, %broadcast_in_dim3A_700] : memref<128x100xf32, #tpu.memory_space<vmem>>[vector<16xi32>, vector<16xi32>], vector<16xf32>,
      %sub3A_702 = arith.subf %gather3A_701, %max3A_410 : vector<16xf32>
      %mul3A_703 = arith.constant 3.000000e+01 : f32
      %mul3A_704 = vector.broadcast %mul3A_703 : f32 to vector<16xf32>
      %mul3A_705 = arith.mulf %sub3A_702, %mul3A_704 : vector<16xf32>
      %exp3A_706 = math.exp %mul3A_705 : vector<16xf32>
      %add3A_707 = arith.addf %add3A_698, %exp3A_706 : vector<16xf32>
      %broadcast_in_dim3A_708 = arith.constant 33 : i32
      %broadcast_in_dim3A_709 = vector.broadcast %broadcast_in_dim3A_708 : i32 to vector<16xi32>
      %gather3A_710 = tpu.vector_load_idx %arg7[%add3A_14, %broadcast_in_dim3A_709] : memref<128x100xf32, #tpu.memory_space<vmem>>[vector<16xi32>, vector<16xi32>], vector<16xf32>,
      %sub3A_711 = arith.subf %gather3A_710, %max3A_410 : vector<16xf32>
      %mul3A_712 = arith.constant 3.000000e+01 : f32
      %mul3A_713 = vector.broadcast %mul3A_712 : f32 to vector<16xf32>
      %mul3A_714 = arith.mulf %sub3A_711, %mul3A_713 : vector<16xf32>
      %exp3A_715 = math.exp %mul3A_714 : vector<16xf32>
      %add3A_716 = arith.addf %add3A_707, %exp3A_715 : vector<16xf32>
      %broadcast_in_dim3A_717 = arith.constant 34 : i32
      %broadcast_in_dim3A_718 = vector.broadcast %broadcast_in_dim3A_717 : i32 to vector<16xi32>
      %gather3A_719 = tpu.vector_load_idx %arg7[%add3A_14, %broadcast_in_dim3A_718] : memref<128x100xf32, #tpu.memory_space<vmem>>[vector<16xi32>, vector<16xi32>], vector<16xf32>,
      %sub3A_720 = arith.subf %gather3A_719, %max3A_410 : vector<16xf32>
      %mul3A_721 = arith.constant 3.000000e+01 : f32
      %mul3A_722 = vector.broadcast %mul3A_721 : f32 to vector<16xf32>
      %mul3A_723 = arith.mulf %sub3A_720, %mul3A_722 : vector<16xf32>
      %exp3A_724 = math.exp %mul3A_723 : vector<16xf32>
      %add3A_725 = arith.addf %add3A_716, %exp3A_724 : vector<16xf32>
      %broadcast_in_dim3A_726 = arith.constant 35 : i32
      %broadcast_in_dim3A_727 = vector.broadcast %broadcast_in_dim3A_726 : i32 to vector<16xi32>
      %gather3A_728 = tpu.vector_load_idx %arg7[%add3A_14, %broadcast_in_dim3A_727] : memref<128x100xf32, #tpu.memory_space<vmem>>[vector<16xi32>, vector<16xi32>], vector<16xf32>,
      %sub3A_729 = arith.subf %gather3A_728, %max3A_410 : vector<16xf32>
      %mul3A_730 = arith.constant 3.000000e+01 : f32
      %mul3A_731 = vector.broadcast %mul3A_730 : f32 to vector<16xf32>
      %mul3A_732 = arith.mulf %sub3A_729, %mul3A_731 : vector<16xf32>
      %exp3A_733 = math.exp %mul3A_732 : vector<16xf32>
      %add3A_734 = arith.addf %add3A_725, %exp3A_733 : vector<16xf32>
      %broadcast_in_dim3A_735 = arith.constant 36 : i32
      %broadcast_in_dim3A_736 = vector.broadcast %broadcast_in_dim3A_735 : i32 to vector<16xi32>
      %gather3A_737 = tpu.vector_load_idx %arg7[%add3A_14, %broadcast_in_dim3A_736] : memref<128x100xf32, #tpu.memory_space<vmem>>[vector<16xi32>, vector<16xi32>], vector<16xf32>,
      %sub3A_738 = arith.subf %gather3A_737, %max3A_410 : vector<16xf32>
      %mul3A_739 = arith.constant 3.000000e+01 : f32
      %mul3A_740 = vector.broadcast %mul3A_739 : f32 to vector<16xf32>
      %mul3A_741 = arith.mulf %sub3A_738, %mul3A_740 : vector<16xf32>
      %exp3A_742 = math.exp %mul3A_741 : vector<16xf32>
      %add3A_743 = arith.addf %add3A_734, %exp3A_742 : vector<16xf32>
      %broadcast_in_dim3A_744 = arith.constant 37 : i32
      %broadcast_in_dim3A_745 = vector.broadcast %broadcast_in_dim3A_744 : i32 to vector<16xi32>
      %gather3A_746 = tpu.vector_load_idx %arg7[%add3A_14, %broadcast_in_dim3A_745] : memref<128x100xf32, #tpu.memory_space<vmem>>[vector<16xi32>, vector<16xi32>], vector<16xf32>,
      %sub3A_747 = arith.subf %gather3A_746, %max3A_410 : vector<16xf32>
      %mul3A_748 = arith.constant 3.000000e+01 : f32
      %mul3A_749 = vector.broadcast %mul3A_748 : f32 to vector<16xf32>
      %mul3A_750 = arith.mulf %sub3A_747, %mul3A_749 : vector<16xf32>
      %exp3A_751 = math.exp %mul3A_750 : vector<16xf32>
      %add3A_752 = arith.addf %add3A_743, %exp3A_751 : vector<16xf32>
      %broadcast_in_dim3A_753 = arith.constant 38 : i32
      %broadcast_in_dim3A_754 = vector.broadcast %broadcast_in_dim3A_753 : i32 to vector<16xi32>
      %gather3A_755 = tpu.vector_load_idx %arg7[%add3A_14, %broadcast_in_dim3A_754] : memref<128x100xf32, #tpu.memory_space<vmem>>[vector<16xi32>, vector<16xi32>], vector<16xf32>,
      %sub3A_756 = arith.subf %gather3A_755, %max3A_410 : vector<16xf32>
      %mul3A_757 = arith.constant 3.000000e+01 : f32
      %mul3A_758 = vector.broadcast %mul3A_757 : f32 to vector<16xf32>
      %mul3A_759 = arith.mulf %sub3A_756, %mul3A_758 : vector<16xf32>
      %exp3A_760 = math.exp %mul3A_759 : vector<16xf32>
      %add3A_761 = arith.addf %add3A_752, %exp3A_760 : vector<16xf32>
      %broadcast_in_dim3A_762 = arith.constant 39 : i32
      %broadcast_in_dim3A_763 = vector.broadcast %broadcast_in_dim3A_762 : i32 to vector<16xi32>
      %gather3A_764 = tpu.vector_load_idx %arg7[%add3A_14, %broadcast_in_dim3A_763] : memref<128x100xf32, #tpu.memory_space<vmem>>[vector<16xi32>, vector<16xi32>], vector<16xf32>,
      %sub3A_765 = arith.subf %gather3A_764, %max3A_410 : vector<16xf32>
      %mul3A_766 = arith.constant 3.000000e+01 : f32
      %mul3A_767 = vector.broadcast %mul3A_766 : f32 to vector<16xf32>
      %mul3A_768 = arith.mulf %sub3A_765, %mul3A_767 : vector<16xf32>
      %exp3A_769 = math.exp %mul3A_768 : vector<16xf32>
      %add3A_770 = arith.addf %add3A_761, %exp3A_769 : vector<16xf32>
      %broadcast_in_dim3A_771 = arith.constant 40 : i32
      %broadcast_in_dim3A_772 = vector.broadcast %broadcast_in_dim3A_771 : i32 to vector<16xi32>
      %gather3A_773 = tpu.vector_load_idx %arg7[%add3A_14, %broadcast_in_dim3A_772] : memref<128x100xf32, #tpu.memory_space<vmem>>[vector<16xi32>, vector<16xi32>], vector<16xf32>,
      %sub3A_774 = arith.subf %gather3A_773, %max3A_410 : vector<16xf32>
      %mul3A_775 = arith.constant 3.000000e+01 : f32
      %mul3A_776 = vector.broadcast %mul3A_775 : f32 to vector<16xf32>
      %mul3A_777 = arith.mulf %sub3A_774, %mul3A_776 : vector<16xf32>
      %exp3A_778 = math.exp %mul3A_777 : vector<16xf32>
      %add3A_779 = arith.addf %add3A_770, %exp3A_778 : vector<16xf32>
      %broadcast_in_dim3A_780 = arith.constant 41 : i32
      %broadcast_in_dim3A_781 = vector.broadcast %broadcast_in_dim3A_780 : i32 to vector<16xi32>
      %gather3A_782 = tpu.vector_load_idx %arg7[%add3A_14, %broadcast_in_dim3A_781] : memref<128x100xf32, #tpu.memory_space<vmem>>[vector<16xi32>, vector<16xi32>], vector<16xf32>,
      %sub3A_783 = arith.subf %gather3A_782, %max3A_410 : vector<16xf32>
      %mul3A_784 = arith.constant 3.000000e+01 : f32
      %mul3A_785 = vector.broadcast %mul3A_784 : f32 to vector<16xf32>
      %mul3A_786 = arith.mulf %sub3A_783, %mul3A_785 : vector<16xf32>
      %exp3A_787 = math.exp %mul3A_786 : vector<16xf32>
      %add3A_788 = arith.addf %add3A_779, %exp3A_787 : vector<16xf32>
      %broadcast_in_dim3A_789 = arith.constant 42 : i32
      %broadcast_in_dim3A_790 = vector.broadcast %broadcast_in_dim3A_789 : i32 to vector<16xi32>
      %gather3A_791 = tpu.vector_load_idx %arg7[%add3A_14, %broadcast_in_dim3A_790] : memref<128x100xf32, #tpu.memory_space<vmem>>[vector<16xi32>, vector<16xi32>], vector<16xf32>,
      %sub3A_792 = arith.subf %gather3A_791, %max3A_410 : vector<16xf32>
      %mul3A_793 = arith.constant 3.000000e+01 : f32
      %mul3A_794 = vector.broadcast %mul3A_793 : f32 to vector<16xf32>
      %mul3A_795 = arith.mulf %sub3A_792, %mul3A_794 : vector<16xf32>
      %exp3A_796 = math.exp %mul3A_795 : vector<16xf32>
      %add3A_797 = arith.addf %add3A_788, %exp3A_796 : vector<16xf32>
      %broadcast_in_dim3A_798 = arith.constant 43 : i32
      %broadcast_in_dim3A_799 = vector.broadcast %broadcast_in_dim3A_798 : i32 to vector<16xi32>
      %gather3A_800 = tpu.vector_load_idx %arg7[%add3A_14, %broadcast_in_dim3A_799] : memref<128x100xf32, #tpu.memory_space<vmem>>[vector<16xi32>, vector<16xi32>], vector<16xf32>,
      %sub3A_801 = arith.subf %gather3A_800, %max3A_410 : vector<16xf32>
      %mul3A_802 = arith.constant 3.000000e+01 : f32
      %mul3A_803 = vector.broadcast %mul3A_802 : f32 to vector<16xf32>
      %mul3A_804 = arith.mulf %sub3A_801, %mul3A_803 : vector<16xf32>
      %exp3A_805 = math.exp %mul3A_804 : vector<16xf32>
      %add3A_806 = arith.addf %add3A_797, %exp3A_805 : vector<16xf32>
      %broadcast_in_dim3A_807 = arith.constant 44 : i32
      %broadcast_in_dim3A_808 = vector.broadcast %broadcast_in_dim3A_807 : i32 to vector<16xi32>
      %gather3A_809 = tpu.vector_load_idx %arg7[%add3A_14, %broadcast_in_dim3A_808] : memref<128x100xf32, #tpu.memory_space<vmem>>[vector<16xi32>, vector<16xi32>], vector<16xf32>,
      %sub3A_810 = arith.subf %gather3A_809, %max3A_410 : vector<16xf32>
      %mul3A_811 = arith.constant 3.000000e+01 : f32
      %mul3A_812 = vector.broadcast %mul3A_811 : f32 to vector<16xf32>
      %mul3A_813 = arith.mulf %sub3A_810, %mul3A_812 : vector<16xf32>
      %exp3A_814 = math.exp %mul3A_813 : vector<16xf32>
      %add3A_815 = arith.addf %add3A_806, %exp3A_814 : vector<16xf32>
      %broadcast_in_dim3A_816 = arith.constant 45 : i32
      %broadcast_in_dim3A_817 = vector.broadcast %broadcast_in_dim3A_816 : i32 to vector<16xi32>
      %gather3A_818 = tpu.vector_load_idx %arg7[%add3A_14, %broadcast_in_dim3A_817] : memref<128x100xf32, #tpu.memory_space<vmem>>[vector<16xi32>, vector<16xi32>], vector<16xf32>,
      %sub3A_819 = arith.subf %gather3A_818, %max3A_410 : vector<16xf32>
      %mul3A_820 = arith.constant 3.000000e+01 : f32
      %mul3A_821 = vector.broadcast %mul3A_820 : f32 to vector<16xf32>
      %mul3A_822 = arith.mulf %sub3A_819, %mul3A_821 : vector<16xf32>
      %exp3A_823 = math.exp %mul3A_822 : vector<16xf32>
      %add3A_824 = arith.addf %add3A_815, %exp3A_823 : vector<16xf32>
      %broadcast_in_dim3A_825 = arith.constant 46 : i32
      %broadcast_in_dim3A_826 = vector.broadcast %broadcast_in_dim3A_825 : i32 to vector<16xi32>
      %gather3A_827 = tpu.vector_load_idx %arg7[%add3A_14, %broadcast_in_dim3A_826] : memref<128x100xf32, #tpu.memory_space<vmem>>[vector<16xi32>, vector<16xi32>], vector<16xf32>,
      %sub3A_828 = arith.subf %gather3A_827, %max3A_410 : vector<16xf32>
      %mul3A_829 = arith.constant 3.000000e+01 : f32
      %mul3A_830 = vector.broadcast %mul3A_829 : f32 to vector<16xf32>
      %mul3A_831 = arith.mulf %sub3A_828, %mul3A_830 : vector<16xf32>
      %exp3A_832 = math.exp %mul3A_831 : vector<16xf32>
      %add3A_833 = arith.addf %add3A_824, %exp3A_832 : vector<16xf32>
      %broadcast_in_dim3A_834 = arith.constant 47 : i32
      %broadcast_in_dim3A_835 = vector.broadcast %broadcast_in_dim3A_834 : i32 to vector<16xi32>
      %gather3A_836 = tpu.vector_load_idx %arg7[%add3A_14, %broadcast_in_dim3A_835] : memref<128x100xf32, #tpu.memory_space<vmem>>[vector<16xi32>, vector<16xi32>], vector<16xf32>,
      %sub3A_837 = arith.subf %gather3A_836, %max3A_410 : vector<16xf32>
      %mul3A_838 = arith.constant 3.000000e+01 : f32
      %mul3A_839 = vector.broadcast %mul3A_838 : f32 to vector<16xf32>
      %mul3A_840 = arith.mulf %sub3A_837, %mul3A_839 : vector<16xf32>
      %exp3A_841 = math.exp %mul3A_840 : vector<16xf32>
      %add3A_842 = arith.addf %add3A_833, %exp3A_841 : vector<16xf32>
      %broadcast_in_dim3A_843 = arith.constant 48 : i32
      %broadcast_in_dim3A_844 = vector.broadcast %broadcast_in_dim3A_843 : i32 to vector<16xi32>
      %gather3A_845 = tpu.vector_load_idx %arg7[%add3A_14, %broadcast_in_dim3A_844] : memref<128x100xf32, #tpu.memory_space<vmem>>[vector<16xi32>, vector<16xi32>], vector<16xf32>,
      %sub3A_846 = arith.subf %gather3A_845, %max3A_410 : vector<16xf32>
      %mul3A_847 = arith.constant 3.000000e+01 : f32
      %mul3A_848 = vector.broadcast %mul3A_847 : f32 to vector<16xf32>
      %mul3A_849 = arith.mulf %sub3A_846, %mul3A_848 : vector<16xf32>
      %exp3A_850 = math.exp %mul3A_849 : vector<16xf32>
      %add3A_851 = arith.addf %add3A_842, %exp3A_850 : vector<16xf32>
      %broadcast_in_dim3A_852 = arith.constant 49 : i32
      %broadcast_in_dim3A_853 = vector.broadcast %broadcast_in_dim3A_852 : i32 to vector<16xi32>
      %gather3A_854 = tpu.vector_load_idx %arg7[%add3A_14, %broadcast_in_dim3A_853] : memref<128x100xf32, #tpu.memory_space<vmem>>[vector<16xi32>, vector<16xi32>], vector<16xf32>,
      %sub3A_855 = arith.subf %gather3A_854, %max3A_410 : vector<16xf32>
      %mul3A_856 = arith.constant 3.000000e+01 : f32
      %mul3A_857 = vector.broadcast %mul3A_856 : f32 to vector<16xf32>
      %mul3A_858 = arith.mulf %sub3A_855, %mul3A_857 : vector<16xf32>
      %exp3A_859 = math.exp %mul3A_858 : vector<16xf32>
      %add3A_860 = arith.addf %add3A_851, %exp3A_859 : vector<16xf32>
      %broadcast_in_dim3A_861 = arith.constant 50 : i32
      %broadcast_in_dim3A_862 = vector.broadcast %broadcast_in_dim3A_861 : i32 to vector<16xi32>
      %gather3A_863 = tpu.vector_load_idx %arg7[%add3A_14, %broadcast_in_dim3A_862] : memref<128x100xf32, #tpu.memory_space<vmem>>[vector<16xi32>, vector<16xi32>], vector<16xf32>,
      %sub3A_864 = arith.subf %gather3A_863, %max3A_410 : vector<16xf32>
      %mul3A_865 = arith.constant 3.000000e+01 : f32
      %mul3A_866 = vector.broadcast %mul3A_865 : f32 to vector<16xf32>
      %mul3A_867 = arith.mulf %sub3A_864, %mul3A_866 : vector<16xf32>
      %exp3A_868 = math.exp %mul3A_867 : vector<16xf32>
      %add3A_869 = arith.addf %add3A_860, %exp3A_868 : vector<16xf32>
      %broadcast_in_dim3A_870 = arith.constant 51 : i32
      %broadcast_in_dim3A_871 = vector.broadcast %broadcast_in_dim3A_870 : i32 to vector<16xi32>
      %gather3A_872 = tpu.vector_load_idx %arg7[%add3A_14, %broadcast_in_dim3A_871] : memref<128x100xf32, #tpu.memory_space<vmem>>[vector<16xi32>, vector<16xi32>], vector<16xf32>,
      %sub3A_873 = arith.subf %gather3A_872, %max3A_410 : vector<16xf32>
      %mul3A_874 = arith.constant 3.000000e+01 : f32
      %mul3A_875 = vector.broadcast %mul3A_874 : f32 to vector<16xf32>
      %mul3A_876 = arith.mulf %sub3A_873, %mul3A_875 : vector<16xf32>
      %exp3A_877 = math.exp %mul3A_876 : vector<16xf32>
      %add3A_878 = arith.addf %add3A_869, %exp3A_877 : vector<16xf32>
      %broadcast_in_dim3A_879 = arith.constant 52 : i32
      %broadcast_in_dim3A_880 = vector.broadcast %broadcast_in_dim3A_879 : i32 to vector<16xi32>
      %gather3A_881 = tpu.vector_load_idx %arg7[%add3A_14, %broadcast_in_dim3A_880] : memref<128x100xf32, #tpu.memory_space<vmem>>[vector<16xi32>, vector<16xi32>], vector<16xf32>,
      %sub3A_882 = arith.subf %gather3A_881, %max3A_410 : vector<16xf32>
      %mul3A_883 = arith.constant 3.000000e+01 : f32
      %mul3A_884 = vector.broadcast %mul3A_883 : f32 to vector<16xf32>
      %mul3A_885 = arith.mulf %sub3A_882, %mul3A_884 : vector<16xf32>
      %exp3A_886 = math.exp %mul3A_885 : vector<16xf32>
      %add3A_887 = arith.addf %add3A_878, %exp3A_886 : vector<16xf32>
      %broadcast_in_dim3A_888 = arith.constant 53 : i32
      %broadcast_in_dim3A_889 = vector.broadcast %broadcast_in_dim3A_888 : i32 to vector<16xi32>
      %gather3A_890 = tpu.vector_load_idx %arg7[%add3A_14, %broadcast_in_dim3A_889] : memref<128x100xf32, #tpu.memory_space<vmem>>[vector<16xi32>, vector<16xi32>], vector<16xf32>,
      %sub3A_891 = arith.subf %gather3A_890, %max3A_410 : vector<16xf32>
      %mul3A_892 = arith.constant 3.000000e+01 : f32
      %mul3A_893 = vector.broadcast %mul3A_892 : f32 to vector<16xf32>
      %mul3A_894 = arith.mulf %sub3A_891, %mul3A_893 : vector<16xf32>
      %exp3A_895 = math.exp %mul3A_894 : vector<16xf32>
      %add3A_896 = arith.addf %add3A_887, %exp3A_895 : vector<16xf32>
      %broadcast_in_dim3A_897 = arith.constant 54 : i32
      %broadcast_in_dim3A_898 = vector.broadcast %broadcast_in_dim3A_897 : i32 to vector<16xi32>
      %gather3A_899 = tpu.vector_load_idx %arg7[%add3A_14, %broadcast_in_dim3A_898] : memref<128x100xf32, #tpu.memory_space<vmem>>[vector<16xi32>, vector<16xi32>], vector<16xf32>,
      %sub3A_900 = arith.subf %gather3A_899, %max3A_410 : vector<16xf32>
      %mul3A_901 = arith.constant 3.000000e+01 : f32
      %mul3A_902 = vector.broadcast %mul3A_901 : f32 to vector<16xf32>
      %mul3A_903 = arith.mulf %sub3A_900, %mul3A_902 : vector<16xf32>
      %exp3A_904 = math.exp %mul3A_903 : vector<16xf32>
      %add3A_905 = arith.addf %add3A_896, %exp3A_904 : vector<16xf32>
      %broadcast_in_dim3A_906 = arith.constant 55 : i32
      %broadcast_in_dim3A_907 = vector.broadcast %broadcast_in_dim3A_906 : i32 to vector<16xi32>
      %gather3A_908 = tpu.vector_load_idx %arg7[%add3A_14, %broadcast_in_dim3A_907] : memref<128x100xf32, #tpu.memory_space<vmem>>[vector<16xi32>, vector<16xi32>], vector<16xf32>,
      %sub3A_909 = arith.subf %gather3A_908, %max3A_410 : vector<16xf32>
      %mul3A_910 = arith.constant 3.000000e+01 : f32
      %mul3A_911 = vector.broadcast %mul3A_910 : f32 to vector<16xf32>
      %mul3A_912 = arith.mulf %sub3A_909, %mul3A_911 : vector<16xf32>
      %exp3A_913 = math.exp %mul3A_912 : vector<16xf32>
      %add3A_914 = arith.addf %add3A_905, %exp3A_913 : vector<16xf32>
      %broadcast_in_dim3A_915 = arith.constant 56 : i32
      %broadcast_in_dim3A_916 = vector.broadcast %broadcast_in_dim3A_915 : i32 to vector<16xi32>
      %gather3A_917 = tpu.vector_load_idx %arg7[%add3A_14, %broadcast_in_dim3A_916] : memref<128x100xf32, #tpu.memory_space<vmem>>[vector<16xi32>, vector<16xi32>], vector<16xf32>,
      %sub3A_918 = arith.subf %gather3A_917, %max3A_410 : vector<16xf32>
      %mul3A_919 = arith.constant 3.000000e+01 : f32
      %mul3A_920 = vector.broadcast %mul3A_919 : f32 to vector<16xf32>
      %mul3A_921 = arith.mulf %sub3A_918, %mul3A_920 : vector<16xf32>
      %exp3A_922 = math.exp %mul3A_921 : vector<16xf32>
      %add3A_923 = arith.addf %add3A_914, %exp3A_922 : vector<16xf32>
      %broadcast_in_dim3A_924 = arith.constant 57 : i32
      %broadcast_in_dim3A_925 = vector.broadcast %broadcast_in_dim3A_924 : i32 to vector<16xi32>
      %gather3A_926 = tpu.vector_load_idx %arg7[%add3A_14, %broadcast_in_dim3A_925] : memref<128x100xf32, #tpu.memory_space<vmem>>[vector<16xi32>, vector<16xi32>], vector<16xf32>,
      %sub3A_927 = arith.subf %gather3A_926, %max3A_410 : vector<16xf32>
      %mul3A_928 = arith.constant 3.000000e+01 : f32
      %mul3A_929 = vector.broadcast %mul3A_928 : f32 to vector<16xf32>
      %mul3A_930 = arith.mulf %sub3A_927, %mul3A_929 : vector<16xf32>
      %exp3A_931 = math.exp %mul3A_930 : vector<16xf32>
      %add3A_932 = arith.addf %add3A_923, %exp3A_931 : vector<16xf32>
      %broadcast_in_dim3A_933 = arith.constant 58 : i32
      %broadcast_in_dim3A_934 = vector.broadcast %broadcast_in_dim3A_933 : i32 to vector<16xi32>
      %gather3A_935 = tpu.vector_load_idx %arg7[%add3A_14, %broadcast_in_dim3A_934] : memref<128x100xf32, #tpu.memory_space<vmem>>[vector<16xi32>, vector<16xi32>], vector<16xf32>,
      %sub3A_936 = arith.subf %gather3A_935, %max3A_410 : vector<16xf32>
      %mul3A_937 = arith.constant 3.000000e+01 : f32
      %mul3A_938 = vector.broadcast %mul3A_937 : f32 to vector<16xf32>
      %mul3A_939 = arith.mulf %sub3A_936, %mul3A_938 : vector<16xf32>
      %exp3A_940 = math.exp %mul3A_939 : vector<16xf32>
      %add3A_941 = arith.addf %add3A_932, %exp3A_940 : vector<16xf32>
      %broadcast_in_dim3A_942 = arith.constant 59 : i32
      %broadcast_in_dim3A_943 = vector.broadcast %broadcast_in_dim3A_942 : i32 to vector<16xi32>
      %gather3A_944 = tpu.vector_load_idx %arg7[%add3A_14, %broadcast_in_dim3A_943] : memref<128x100xf32, #tpu.memory_space<vmem>>[vector<16xi32>, vector<16xi32>], vector<16xf32>,
      %sub3A_945 = arith.subf %gather3A_944, %max3A_410 : vector<16xf32>
      %mul3A_946 = arith.constant 3.000000e+01 : f32
      %mul3A_947 = vector.broadcast %mul3A_946 : f32 to vector<16xf32>
      %mul3A_948 = arith.mulf %sub3A_945, %mul3A_947 : vector<16xf32>
      %exp3A_949 = math.exp %mul3A_948 : vector<16xf32>
      %add3A_950 = arith.addf %add3A_941, %exp3A_949 : vector<16xf32>
      %broadcast_in_dim3A_951 = arith.constant 60 : i32
      %broadcast_in_dim3A_952 = vector.broadcast %broadcast_in_dim3A_951 : i32 to vector<16xi32>
      %gather3A_953 = tpu.vector_load_idx %arg7[%add3A_14, %broadcast_in_dim3A_952] : memref<128x100xf32, #tpu.memory_space<vmem>>[vector<16xi32>, vector<16xi32>], vector<16xf32>,
      %sub3A_954 = arith.subf %gather3A_953, %max3A_410 : vector<16xf32>
      %mul3A_955 = arith.constant 3.000000e+01 : f32
      %mul3A_956 = vector.broadcast %mul3A_955 : f32 to vector<16xf32>
      %mul3A_957 = arith.mulf %sub3A_954, %mul3A_956 : vector<16xf32>
      %exp3A_958 = math.exp %mul3A_957 : vector<16xf32>
      %add3A_959 = arith.addf %add3A_950, %exp3A_958 : vector<16xf32>
      %broadcast_in_dim3A_960 = arith.constant 61 : i32
      %broadcast_in_dim3A_961 = vector.broadcast %broadcast_in_dim3A_960 : i32 to vector<16xi32>
      %gather3A_962 = tpu.vector_load_idx %arg7[%add3A_14, %broadcast_in_dim3A_961] : memref<128x100xf32, #tpu.memory_space<vmem>>[vector<16xi32>, vector<16xi32>], vector<16xf32>,
      %sub3A_963 = arith.subf %gather3A_962, %max3A_410 : vector<16xf32>
      %mul3A_964 = arith.constant 3.000000e+01 : f32
      %mul3A_965 = vector.broadcast %mul3A_964 : f32 to vector<16xf32>
      %mul3A_966 = arith.mulf %sub3A_963, %mul3A_965 : vector<16xf32>
      %exp3A_967 = math.exp %mul3A_966 : vector<16xf32>
      %add3A_968 = arith.addf %add3A_959, %exp3A_967 : vector<16xf32>
      %broadcast_in_dim3A_969 = arith.constant 62 : i32
      %broadcast_in_dim3A_970 = vector.broadcast %broadcast_in_dim3A_969 : i32 to vector<16xi32>
      %gather3A_971 = tpu.vector_load_idx %arg7[%add3A_14, %broadcast_in_dim3A_970] : memref<128x100xf32, #tpu.memory_space<vmem>>[vector<16xi32>, vector<16xi32>], vector<16xf32>,
      %sub3A_972 = arith.subf %gather3A_971, %max3A_410 : vector<16xf32>
      %mul3A_973 = arith.constant 3.000000e+01 : f32
      %mul3A_974 = vector.broadcast %mul3A_973 : f32 to vector<16xf32>
      %mul3A_975 = arith.mulf %sub3A_972, %mul3A_974 : vector<16xf32>
      %exp3A_976 = math.exp %mul3A_975 : vector<16xf32>
      %add3A_977 = arith.addf %add3A_968, %exp3A_976 : vector<16xf32>
      %broadcast_in_dim3A_978 = arith.constant 63 : i32
      %broadcast_in_dim3A_979 = vector.broadcast %broadcast_in_dim3A_978 : i32 to vector<16xi32>
      %gather3A_980 = tpu.vector_load_idx %arg7[%add3A_14, %broadcast_in_dim3A_979] : memref<128x100xf32, #tpu.memory_space<vmem>>[vector<16xi32>, vector<16xi32>], vector<16xf32>,
      %sub3A_981 = arith.subf %gather3A_980, %max3A_410 : vector<16xf32>
      %mul3A_982 = arith.constant 3.000000e+01 : f32
      %mul3A_983 = vector.broadcast %mul3A_982 : f32 to vector<16xf32>
      %mul3A_984 = arith.mulf %sub3A_981, %mul3A_983 : vector<16xf32>
      %exp3A_985 = math.exp %mul3A_984 : vector<16xf32>
      %add3A_986 = arith.addf %add3A_977, %exp3A_985 : vector<16xf32>
      %broadcast_in_dim3A_987 = arith.constant 64 : i32
      %broadcast_in_dim3A_988 = vector.broadcast %broadcast_in_dim3A_987 : i32 to vector<16xi32>
      %gather3A_989 = tpu.vector_load_idx %arg7[%add3A_14, %broadcast_in_dim3A_988] : memref<128x100xf32, #tpu.memory_space<vmem>>[vector<16xi32>, vector<16xi32>], vector<16xf32>,
      %sub3A_990 = arith.subf %gather3A_989, %max3A_410 : vector<16xf32>
      %mul3A_991 = arith.constant 3.000000e+01 : f32
      %mul3A_992 = vector.broadcast %mul3A_991 : f32 to vector<16xf32>
      %mul3A_993 = arith.mulf %sub3A_990, %mul3A_992 : vector<16xf32>
      %exp3A_994 = math.exp %mul3A_993 : vector<16xf32>
      %add3A_995 = arith.addf %add3A_986, %exp3A_994 : vector<16xf32>
      %broadcast_in_dim3A_996 = arith.constant 65 : i32
      %broadcast_in_dim3A_997 = vector.broadcast %broadcast_in_dim3A_996 : i32 to vector<16xi32>
      %gather3A_998 = tpu.vector_load_idx %arg7[%add3A_14, %broadcast_in_dim3A_997] : memref<128x100xf32, #tpu.memory_space<vmem>>[vector<16xi32>, vector<16xi32>], vector<16xf32>,
      %sub3A_999 = arith.subf %gather3A_998, %max3A_410 : vector<16xf32>
      %mul3A_1000 = arith.constant 3.000000e+01 : f32
      %mul3A_1001 = vector.broadcast %mul3A_1000 : f32 to vector<16xf32>
      %mul3A_1002 = arith.mulf %sub3A_999, %mul3A_1001 : vector<16xf32>
      %exp3A_1003 = math.exp %mul3A_1002 : vector<16xf32>
      %add3A_1004 = arith.addf %add3A_995, %exp3A_1003 : vector<16xf32>
      %broadcast_in_dim3A_1005 = arith.constant 66 : i32
      %broadcast_in_dim3A_1006 = vector.broadcast %broadcast_in_dim3A_1005 : i32 to vector<16xi32>
      %gather3A_1007 = tpu.vector_load_idx %arg7[%add3A_14, %broadcast_in_dim3A_1006] : memref<128x100xf32, #tpu.memory_space<vmem>>[vector<16xi32>, vector<16xi32>], vector<16xf32>,
      %sub3A_1008 = arith.subf %gather3A_1007, %max3A_410 : vector<16xf32>
      %mul3A_1009 = arith.constant 3.000000e+01 : f32
      %mul3A_1010 = vector.broadcast %mul3A_1009 : f32 to vector<16xf32>
      %mul3A_1011 = arith.mulf %sub3A_1008, %mul3A_1010 : vector<16xf32>
      %exp3A_1012 = math.exp %mul3A_1011 : vector<16xf32>
      %add3A_1013 = arith.addf %add3A_1004, %exp3A_1012 : vector<16xf32>
      %broadcast_in_dim3A_1014 = arith.constant 67 : i32
      %broadcast_in_dim3A_1015 = vector.broadcast %broadcast_in_dim3A_1014 : i32 to vector<16xi32>
      %gather3A_1016 = tpu.vector_load_idx %arg7[%add3A_14, %broadcast_in_dim3A_1015] : memref<128x100xf32, #tpu.memory_space<vmem>>[vector<16xi32>, vector<16xi32>], vector<16xf32>,
      %sub3A_1017 = arith.subf %gather3A_1016, %max3A_410 : vector<16xf32>
      %mul3A_1018 = arith.constant 3.000000e+01 : f32
      %mul3A_1019 = vector.broadcast %mul3A_1018 : f32 to vector<16xf32>
      %mul3A_1020 = arith.mulf %sub3A_1017, %mul3A_1019 : vector<16xf32>
      %exp3A_1021 = math.exp %mul3A_1020 : vector<16xf32>
      %add3A_1022 = arith.addf %add3A_1013, %exp3A_1021 : vector<16xf32>
      %broadcast_in_dim3A_1023 = arith.constant 68 : i32
      %broadcast_in_dim3A_1024 = vector.broadcast %broadcast_in_dim3A_1023 : i32 to vector<16xi32>
      %gather3A_1025 = tpu.vector_load_idx %arg7[%add3A_14, %broadcast_in_dim3A_1024] : memref<128x100xf32, #tpu.memory_space<vmem>>[vector<16xi32>, vector<16xi32>], vector<16xf32>,
      %sub3A_1026 = arith.subf %gather3A_1025, %max3A_410 : vector<16xf32>
      %mul3A_1027 = arith.constant 3.000000e+01 : f32
      %mul3A_1028 = vector.broadcast %mul3A_1027 : f32 to vector<16xf32>
      %mul3A_1029 = arith.mulf %sub3A_1026, %mul3A_1028 : vector<16xf32>
      %exp3A_1030 = math.exp %mul3A_1029 : vector<16xf32>
      %add3A_1031 = arith.addf %add3A_1022, %exp3A_1030 : vector<16xf32>
      %broadcast_in_dim3A_1032 = arith.constant 69 : i32
      %broadcast_in_dim3A_1033 = vector.broadcast %broadcast_in_dim3A_1032 : i32 to vector<16xi32>
      %gather3A_1034 = tpu.vector_load_idx %arg7[%add3A_14, %broadcast_in_dim3A_1033] : memref<128x100xf32, #tpu.memory_space<vmem>>[vector<16xi32>, vector<16xi32>], vector<16xf32>,
      %sub3A_1035 = arith.subf %gather3A_1034, %max3A_410 : vector<16xf32>
      %mul3A_1036 = arith.constant 3.000000e+01 : f32
      %mul3A_1037 = vector.broadcast %mul3A_1036 : f32 to vector<16xf32>
      %mul3A_1038 = arith.mulf %sub3A_1035, %mul3A_1037 : vector<16xf32>
      %exp3A_1039 = math.exp %mul3A_1038 : vector<16xf32>
      %add3A_1040 = arith.addf %add3A_1031, %exp3A_1039 : vector<16xf32>
      %broadcast_in_dim3A_1041 = arith.constant 70 : i32
      %broadcast_in_dim3A_1042 = vector.broadcast %broadcast_in_dim3A_1041 : i32 to vector<16xi32>
      %gather3A_1043 = tpu.vector_load_idx %arg7[%add3A_14, %broadcast_in_dim3A_1042] : memref<128x100xf32, #tpu.memory_space<vmem>>[vector<16xi32>, vector<16xi32>], vector<16xf32>,
      %sub3A_1044 = arith.subf %gather3A_1043, %max3A_410 : vector<16xf32>
      %mul3A_1045 = arith.constant 3.000000e+01 : f32
      %mul3A_1046 = vector.broadcast %mul3A_1045 : f32 to vector<16xf32>
      %mul3A_1047 = arith.mulf %sub3A_1044, %mul3A_1046 : vector<16xf32>
      %exp3A_1048 = math.exp %mul3A_1047 : vector<16xf32>
      %add3A_1049 = arith.addf %add3A_1040, %exp3A_1048 : vector<16xf32>
      %broadcast_in_dim3A_1050 = arith.constant 71 : i32
      %broadcast_in_dim3A_1051 = vector.broadcast %broadcast_in_dim3A_1050 : i32 to vector<16xi32>
      %gather3A_1052 = tpu.vector_load_idx %arg7[%add3A_14, %broadcast_in_dim3A_1051] : memref<128x100xf32, #tpu.memory_space<vmem>>[vector<16xi32>, vector<16xi32>], vector<16xf32>,
      %sub3A_1053 = arith.subf %gather3A_1052, %max3A_410 : vector<16xf32>
      %mul3A_1054 = arith.constant 3.000000e+01 : f32
      %mul3A_1055 = vector.broadcast %mul3A_1054 : f32 to vector<16xf32>
      %mul3A_1056 = arith.mulf %sub3A_1053, %mul3A_1055 : vector<16xf32>
      %exp3A_1057 = math.exp %mul3A_1056 : vector<16xf32>
      %add3A_1058 = arith.addf %add3A_1049, %exp3A_1057 : vector<16xf32>
      %broadcast_in_dim3A_1059 = arith.constant 72 : i32
      %broadcast_in_dim3A_1060 = vector.broadcast %broadcast_in_dim3A_1059 : i32 to vector<16xi32>
      %gather3A_1061 = tpu.vector_load_idx %arg7[%add3A_14, %broadcast_in_dim3A_1060] : memref<128x100xf32, #tpu.memory_space<vmem>>[vector<16xi32>, vector<16xi32>], vector<16xf32>,
      %sub3A_1062 = arith.subf %gather3A_1061, %max3A_410 : vector<16xf32>
      %mul3A_1063 = arith.constant 3.000000e+01 : f32
      %mul3A_1064 = vector.broadcast %mul3A_1063 : f32 to vector<16xf32>
      %mul3A_1065 = arith.mulf %sub3A_1062, %mul3A_1064 : vector<16xf32>
      %exp3A_1066 = math.exp %mul3A_1065 : vector<16xf32>
      %add3A_1067 = arith.addf %add3A_1058, %exp3A_1066 : vector<16xf32>
      %broadcast_in_dim3A_1068 = arith.constant 73 : i32
      %broadcast_in_dim3A_1069 = vector.broadcast %broadcast_in_dim3A_1068 : i32 to vector<16xi32>
      %gather3A_1070 = tpu.vector_load_idx %arg7[%add3A_14, %broadcast_in_dim3A_1069] : memref<128x100xf32, #tpu.memory_space<vmem>>[vector<16xi32>, vector<16xi32>], vector<16xf32>,
      %sub3A_1071 = arith.subf %gather3A_1070, %max3A_410 : vector<16xf32>
      %mul3A_1072 = arith.constant 3.000000e+01 : f32
      %mul3A_1073 = vector.broadcast %mul3A_1072 : f32 to vector<16xf32>
      %mul3A_1074 = arith.mulf %sub3A_1071, %mul3A_1073 : vector<16xf32>
      %exp3A_1075 = math.exp %mul3A_1074 : vector<16xf32>
      %add3A_1076 = arith.addf %add3A_1067, %exp3A_1075 : vector<16xf32>
      %broadcast_in_dim3A_1077 = arith.constant 74 : i32
      %broadcast_in_dim3A_1078 = vector.broadcast %broadcast_in_dim3A_1077 : i32 to vector<16xi32>
      %gather3A_1079 = tpu.vector_load_idx %arg7[%add3A_14, %broadcast_in_dim3A_1078] : memref<128x100xf32, #tpu.memory_space<vmem>>[vector<16xi32>, vector<16xi32>], vector<16xf32>,
      %sub3A_1080 = arith.subf %gather3A_1079, %max3A_410 : vector<16xf32>
      %mul3A_1081 = arith.constant 3.000000e+01 : f32
      %mul3A_1082 = vector.broadcast %mul3A_1081 : f32 to vector<16xf32>
      %mul3A_1083 = arith.mulf %sub3A_1080, %mul3A_1082 : vector<16xf32>
      %exp3A_1084 = math.exp %mul3A_1083 : vector<16xf32>
      %add3A_1085 = arith.addf %add3A_1076, %exp3A_1084 : vector<16xf32>
      %broadcast_in_dim3A_1086 = arith.constant 75 : i32
      %broadcast_in_dim3A_1087 = vector.broadcast %broadcast_in_dim3A_1086 : i32 to vector<16xi32>
      %gather3A_1088 = tpu.vector_load_idx %arg7[%add3A_14, %broadcast_in_dim3A_1087] : memref<128x100xf32, #tpu.memory_space<vmem>>[vector<16xi32>, vector<16xi32>], vector<16xf32>,
      %sub3A_1089 = arith.subf %gather3A_1088, %max3A_410 : vector<16xf32>
      %mul3A_1090 = arith.constant 3.000000e+01 : f32
      %mul3A_1091 = vector.broadcast %mul3A_1090 : f32 to vector<16xf32>
      %mul3A_1092 = arith.mulf %sub3A_1089, %mul3A_1091 : vector<16xf32>
      %exp3A_1093 = math.exp %mul3A_1092 : vector<16xf32>
      %add3A_1094 = arith.addf %add3A_1085, %exp3A_1093 : vector<16xf32>
      %broadcast_in_dim3A_1095 = arith.constant 76 : i32
      %broadcast_in_dim3A_1096 = vector.broadcast %broadcast_in_dim3A_1095 : i32 to vector<16xi32>
      %gather3A_1097 = tpu.vector_load_idx %arg7[%add3A_14, %broadcast_in_dim3A_1096] : memref<128x100xf32, #tpu.memory_space<vmem>>[vector<16xi32>, vector<16xi32>], vector<16xf32>,
      %sub3A_1098 = arith.subf %gather3A_1097, %max3A_410 : vector<16xf32>
      %mul3A_1099 = arith.constant 3.000000e+01 : f32
      %mul3A_1100 = vector.broadcast %mul3A_1099 : f32 to vector<16xf32>
      %mul3A_1101 = arith.mulf %sub3A_1098, %mul3A_1100 : vector<16xf32>
      %exp3A_1102 = math.exp %mul3A_1101 : vector<16xf32>
      %add3A_1103 = arith.addf %add3A_1094, %exp3A_1102 : vector<16xf32>
      %broadcast_in_dim3A_1104 = arith.constant 77 : i32
      %broadcast_in_dim3A_1105 = vector.broadcast %broadcast_in_dim3A_1104 : i32 to vector<16xi32>
      %gather3A_1106 = tpu.vector_load_idx %arg7[%add3A_14, %broadcast_in_dim3A_1105] : memref<128x100xf32, #tpu.memory_space<vmem>>[vector<16xi32>, vector<16xi32>], vector<16xf32>,
      %sub3A_1107 = arith.subf %gather3A_1106, %max3A_410 : vector<16xf32>
      %mul3A_1108 = arith.constant 3.000000e+01 : f32
      %mul3A_1109 = vector.broadcast %mul3A_1108 : f32 to vector<16xf32>
      %mul3A_1110 = arith.mulf %sub3A_1107, %mul3A_1109 : vector<16xf32>
      %exp3A_1111 = math.exp %mul3A_1110 : vector<16xf32>
      %add3A_1112 = arith.addf %add3A_1103, %exp3A_1111 : vector<16xf32>
      %broadcast_in_dim3A_1113 = arith.constant 78 : i32
      %broadcast_in_dim3A_1114 = vector.broadcast %broadcast_in_dim3A_1113 : i32 to vector<16xi32>
      %gather3A_1115 = tpu.vector_load_idx %arg7[%add3A_14, %broadcast_in_dim3A_1114] : memref<128x100xf32, #tpu.memory_space<vmem>>[vector<16xi32>, vector<16xi32>], vector<16xf32>,
      %sub3A_1116 = arith.subf %gather3A_1115, %max3A_410 : vector<16xf32>
      %mul3A_1117 = arith.constant 3.000000e+01 : f32
      %mul3A_1118 = vector.broadcast %mul3A_1117 : f32 to vector<16xf32>
      %mul3A_1119 = arith.mulf %sub3A_1116, %mul3A_1118 : vector<16xf32>
      %exp3A_1120 = math.exp %mul3A_1119 : vector<16xf32>
      %add3A_1121 = arith.addf %add3A_1112, %exp3A_1120 : vector<16xf32>
      %broadcast_in_dim3A_1122 = arith.constant 79 : i32
      %broadcast_in_dim3A_1123 = vector.broadcast %broadcast_in_dim3A_1122 : i32 to vector<16xi32>
      %gather3A_1124 = tpu.vector_load_idx %arg7[%add3A_14, %broadcast_in_dim3A_1123] : memref<128x100xf32, #tpu.memory_space<vmem>>[vector<16xi32>, vector<16xi32>], vector<16xf32>,
      %sub3A_1125 = arith.subf %gather3A_1124, %max3A_410 : vector<16xf32>
      %mul3A_1126 = arith.constant 3.000000e+01 : f32
      %mul3A_1127 = vector.broadcast %mul3A_1126 : f32 to vector<16xf32>
      %mul3A_1128 = arith.mulf %sub3A_1125, %mul3A_1127 : vector<16xf32>
      %exp3A_1129 = math.exp %mul3A_1128 : vector<16xf32>
      %add3A_1130 = arith.addf %add3A_1121, %exp3A_1129 : vector<16xf32>
      %broadcast_in_dim3A_1131 = arith.constant 80 : i32
      %broadcast_in_dim3A_1132 = vector.broadcast %broadcast_in_dim3A_1131 : i32 to vector<16xi32>
      %gather3A_1133 = tpu.vector_load_idx %arg7[%add3A_14, %broadcast_in_dim3A_1132] : memref<128x100xf32, #tpu.memory_space<vmem>>[vector<16xi32>, vector<16xi32>], vector<16xf32>,
      %sub3A_1134 = arith.subf %gather3A_1133, %max3A_410 : vector<16xf32>
      %mul3A_1135 = arith.constant 3.000000e+01 : f32
      %mul3A_1136 = vector.broadcast %mul3A_1135 : f32 to vector<16xf32>
      %mul3A_1137 = arith.mulf %sub3A_1134, %mul3A_1136 : vector<16xf32>
      %exp3A_1138 = math.exp %mul3A_1137 : vector<16xf32>
      %add3A_1139 = arith.addf %add3A_1130, %exp3A_1138 : vector<16xf32>
      %broadcast_in_dim3A_1140 = arith.constant 81 : i32
      %broadcast_in_dim3A_1141 = vector.broadcast %broadcast_in_dim3A_1140 : i32 to vector<16xi32>
      %gather3A_1142 = tpu.vector_load_idx %arg7[%add3A_14, %broadcast_in_dim3A_1141] : memref<128x100xf32, #tpu.memory_space<vmem>>[vector<16xi32>, vector<16xi32>], vector<16xf32>,
      %sub3A_1143 = arith.subf %gather3A_1142, %max3A_410 : vector<16xf32>
      %mul3A_1144 = arith.constant 3.000000e+01 : f32
      %mul3A_1145 = vector.broadcast %mul3A_1144 : f32 to vector<16xf32>
      %mul3A_1146 = arith.mulf %sub3A_1143, %mul3A_1145 : vector<16xf32>
      %exp3A_1147 = math.exp %mul3A_1146 : vector<16xf32>
      %add3A_1148 = arith.addf %add3A_1139, %exp3A_1147 : vector<16xf32>
      %broadcast_in_dim3A_1149 = arith.constant 82 : i32
      %broadcast_in_dim3A_1150 = vector.broadcast %broadcast_in_dim3A_1149 : i32 to vector<16xi32>
      %gather3A_1151 = tpu.vector_load_idx %arg7[%add3A_14, %broadcast_in_dim3A_1150] : memref<128x100xf32, #tpu.memory_space<vmem>>[vector<16xi32>, vector<16xi32>], vector<16xf32>,
      %sub3A_1152 = arith.subf %gather3A_1151, %max3A_410 : vector<16xf32>
      %mul3A_1153 = arith.constant 3.000000e+01 : f32
      %mul3A_1154 = vector.broadcast %mul3A_1153 : f32 to vector<16xf32>
      %mul3A_1155 = arith.mulf %sub3A_1152, %mul3A_1154 : vector<16xf32>
      %exp3A_1156 = math.exp %mul3A_1155 : vector<16xf32>
      %add3A_1157 = arith.addf %add3A_1148, %exp3A_1156 : vector<16xf32>
      %broadcast_in_dim3A_1158 = arith.constant 83 : i32
      %broadcast_in_dim3A_1159 = vector.broadcast %broadcast_in_dim3A_1158 : i32 to vector<16xi32>
      %gather3A_1160 = tpu.vector_load_idx %arg7[%add3A_14, %broadcast_in_dim3A_1159] : memref<128x100xf32, #tpu.memory_space<vmem>>[vector<16xi32>, vector<16xi32>], vector<16xf32>,
      %sub3A_1161 = arith.subf %gather3A_1160, %max3A_410 : vector<16xf32>
      %mul3A_1162 = arith.constant 3.000000e+01 : f32
      %mul3A_1163 = vector.broadcast %mul3A_1162 : f32 to vector<16xf32>
      %mul3A_1164 = arith.mulf %sub3A_1161, %mul3A_1163 : vector<16xf32>
      %exp3A_1165 = math.exp %mul3A_1164 : vector<16xf32>
      %add3A_1166 = arith.addf %add3A_1157, %exp3A_1165 : vector<16xf32>
      %broadcast_in_dim3A_1167 = arith.constant 84 : i32
      %broadcast_in_dim3A_1168 = vector.broadcast %broadcast_in_dim3A_1167 : i32 to vector<16xi32>
      %gather3A_1169 = tpu.vector_load_idx %arg7[%add3A_14, %broadcast_in_dim3A_1168] : memref<128x100xf32, #tpu.memory_space<vmem>>[vector<16xi32>, vector<16xi32>], vector<16xf32>,
      %sub3A_1170 = arith.subf %gather3A_1169, %max3A_410 : vector<16xf32>
      %mul3A_1171 = arith.constant 3.000000e+01 : f32
      %mul3A_1172 = vector.broadcast %mul3A_1171 : f32 to vector<16xf32>
      %mul3A_1173 = arith.mulf %sub3A_1170, %mul3A_1172 : vector<16xf32>
      %exp3A_1174 = math.exp %mul3A_1173 : vector<16xf32>
      %add3A_1175 = arith.addf %add3A_1166, %exp3A_1174 : vector<16xf32>
      %broadcast_in_dim3A_1176 = arith.constant 85 : i32
      %broadcast_in_dim3A_1177 = vector.broadcast %broadcast_in_dim3A_1176 : i32 to vector<16xi32>
      %gather3A_1178 = tpu.vector_load_idx %arg7[%add3A_14, %broadcast_in_dim3A_1177] : memref<128x100xf32, #tpu.memory_space<vmem>>[vector<16xi32>, vector<16xi32>], vector<16xf32>,
      %sub3A_1179 = arith.subf %gather3A_1178, %max3A_410 : vector<16xf32>
      %mul3A_1180 = arith.constant 3.000000e+01 : f32
      %mul3A_1181 = vector.broadcast %mul3A_1180 : f32 to vector<16xf32>
      %mul3A_1182 = arith.mulf %sub3A_1179, %mul3A_1181 : vector<16xf32>
      %exp3A_1183 = math.exp %mul3A_1182 : vector<16xf32>
      %add3A_1184 = arith.addf %add3A_1175, %exp3A_1183 : vector<16xf32>
      %broadcast_in_dim3A_1185 = arith.constant 86 : i32
      %broadcast_in_dim3A_1186 = vector.broadcast %broadcast_in_dim3A_1185 : i32 to vector<16xi32>
      %gather3A_1187 = tpu.vector_load_idx %arg7[%add3A_14, %broadcast_in_dim3A_1186] : memref<128x100xf32, #tpu.memory_space<vmem>>[vector<16xi32>, vector<16xi32>], vector<16xf32>,
      %sub3A_1188 = arith.subf %gather3A_1187, %max3A_410 : vector<16xf32>
      %mul3A_1189 = arith.constant 3.000000e+01 : f32
      %mul3A_1190 = vector.broadcast %mul3A_1189 : f32 to vector<16xf32>
      %mul3A_1191 = arith.mulf %sub3A_1188, %mul3A_1190 : vector<16xf32>
      %exp3A_1192 = math.exp %mul3A_1191 : vector<16xf32>
      %add3A_1193 = arith.addf %add3A_1184, %exp3A_1192 : vector<16xf32>
      %broadcast_in_dim3A_1194 = arith.constant 87 : i32
      %broadcast_in_dim3A_1195 = vector.broadcast %broadcast_in_dim3A_1194 : i32 to vector<16xi32>
      %gather3A_1196 = tpu.vector_load_idx %arg7[%add3A_14, %broadcast_in_dim3A_1195] : memref<128x100xf32, #tpu.memory_space<vmem>>[vector<16xi32>, vector<16xi32>], vector<16xf32>,
      %sub3A_1197 = arith.subf %gather3A_1196, %max3A_410 : vector<16xf32>
      %mul3A_1198 = arith.constant 3.000000e+01 : f32
      %mul3A_1199 = vector.broadcast %mul3A_1198 : f32 to vector<16xf32>
      %mul3A_1200 = arith.mulf %sub3A_1197, %mul3A_1199 : vector<16xf32>
      %exp3A_1201 = math.exp %mul3A_1200 : vector<16xf32>
      %add3A_1202 = arith.addf %add3A_1193, %exp3A_1201 : vector<16xf32>
      %broadcast_in_dim3A_1203 = arith.constant 88 : i32
      %broadcast_in_dim3A_1204 = vector.broadcast %broadcast_in_dim3A_1203 : i32 to vector<16xi32>
      %gather3A_1205 = tpu.vector_load_idx %arg7[%add3A_14, %broadcast_in_dim3A_1204] : memref<128x100xf32, #tpu.memory_space<vmem>>[vector<16xi32>, vector<16xi32>], vector<16xf32>,
      %sub3A_1206 = arith.subf %gather3A_1205, %max3A_410 : vector<16xf32>
      %mul3A_1207 = arith.constant 3.000000e+01 : f32
      %mul3A_1208 = vector.broadcast %mul3A_1207 : f32 to vector<16xf32>
      %mul3A_1209 = arith.mulf %sub3A_1206, %mul3A_1208 : vector<16xf32>
      %exp3A_1210 = math.exp %mul3A_1209 : vector<16xf32>
      %add3A_1211 = arith.addf %add3A_1202, %exp3A_1210 : vector<16xf32>
      %broadcast_in_dim3A_1212 = arith.constant 89 : i32
      %broadcast_in_dim3A_1213 = vector.broadcast %broadcast_in_dim3A_1212 : i32 to vector<16xi32>
      %gather3A_1214 = tpu.vector_load_idx %arg7[%add3A_14, %broadcast_in_dim3A_1213] : memref<128x100xf32, #tpu.memory_space<vmem>>[vector<16xi32>, vector<16xi32>], vector<16xf32>,
      %sub3A_1215 = arith.subf %gather3A_1214, %max3A_410 : vector<16xf32>
      %mul3A_1216 = arith.constant 3.000000e+01 : f32
      %mul3A_1217 = vector.broadcast %mul3A_1216 : f32 to vector<16xf32>
      %mul3A_1218 = arith.mulf %sub3A_1215, %mul3A_1217 : vector<16xf32>
      %exp3A_1219 = math.exp %mul3A_1218 : vector<16xf32>
      %add3A_1220 = arith.addf %add3A_1211, %exp3A_1219 : vector<16xf32>
      %broadcast_in_dim3A_1221 = arith.constant 90 : i32
      %broadcast_in_dim3A_1222 = vector.broadcast %broadcast_in_dim3A_1221 : i32 to vector<16xi32>
      %gather3A_1223 = tpu.vector_load_idx %arg7[%add3A_14, %broadcast_in_dim3A_1222] : memref<128x100xf32, #tpu.memory_space<vmem>>[vector<16xi32>, vector<16xi32>], vector<16xf32>,
      %sub3A_1224 = arith.subf %gather3A_1223, %max3A_410 : vector<16xf32>
      %mul3A_1225 = arith.constant 3.000000e+01 : f32
      %mul3A_1226 = vector.broadcast %mul3A_1225 : f32 to vector<16xf32>
      %mul3A_1227 = arith.mulf %sub3A_1224, %mul3A_1226 : vector<16xf32>
      %exp3A_1228 = math.exp %mul3A_1227 : vector<16xf32>
      %add3A_1229 = arith.addf %add3A_1220, %exp3A_1228 : vector<16xf32>
      %broadcast_in_dim3A_1230 = arith.constant 91 : i32
      %broadcast_in_dim3A_1231 = vector.broadcast %broadcast_in_dim3A_1230 : i32 to vector<16xi32>
      %gather3A_1232 = tpu.vector_load_idx %arg7[%add3A_14, %broadcast_in_dim3A_1231] : memref<128x100xf32, #tpu.memory_space<vmem>>[vector<16xi32>, vector<16xi32>], vector<16xf32>,
      %sub3A_1233 = arith.subf %gather3A_1232, %max3A_410 : vector<16xf32>
      %mul3A_1234 = arith.constant 3.000000e+01 : f32
      %mul3A_1235 = vector.broadcast %mul3A_1234 : f32 to vector<16xf32>
      %mul3A_1236 = arith.mulf %sub3A_1233, %mul3A_1235 : vector<16xf32>
      %exp3A_1237 = math.exp %mul3A_1236 : vector<16xf32>
      %add3A_1238 = arith.addf %add3A_1229, %exp3A_1237 : vector<16xf32>
      %broadcast_in_dim3A_1239 = arith.constant 92 : i32
      %broadcast_in_dim3A_1240 = vector.broadcast %broadcast_in_dim3A_1239 : i32 to vector<16xi32>
      %gather3A_1241 = tpu.vector_load_idx %arg7[%add3A_14, %broadcast_in_dim3A_1240] : memref<128x100xf32, #tpu.memory_space<vmem>>[vector<16xi32>, vector<16xi32>], vector<16xf32>,
      %sub3A_1242 = arith.subf %gather3A_1241, %max3A_410 : vector<16xf32>
      %mul3A_1243 = arith.constant 3.000000e+01 : f32
      %mul3A_1244 = vector.broadcast %mul3A_1243 : f32 to vector<16xf32>
      %mul3A_1245 = arith.mulf %sub3A_1242, %mul3A_1244 : vector<16xf32>
      %exp3A_1246 = math.exp %mul3A_1245 : vector<16xf32>
      %add3A_1247 = arith.addf %add3A_1238, %exp3A_1246 : vector<16xf32>
      %broadcast_in_dim3A_1248 = arith.constant 93 : i32
      %broadcast_in_dim3A_1249 = vector.broadcast %broadcast_in_dim3A_1248 : i32 to vector<16xi32>
      %gather3A_1250 = tpu.vector_load_idx %arg7[%add3A_14, %broadcast_in_dim3A_1249] : memref<128x100xf32, #tpu.memory_space<vmem>>[vector<16xi32>, vector<16xi32>], vector<16xf32>,
      %sub3A_1251 = arith.subf %gather3A_1250, %max3A_410 : vector<16xf32>
      %mul3A_1252 = arith.constant 3.000000e+01 : f32
      %mul3A_1253 = vector.broadcast %mul3A_1252 : f32 to vector<16xf32>
      %mul3A_1254 = arith.mulf %sub3A_1251, %mul3A_1253 : vector<16xf32>
      %exp3A_1255 = math.exp %mul3A_1254 : vector<16xf32>
      %add3A_1256 = arith.addf %add3A_1247, %exp3A_1255 : vector<16xf32>
      %broadcast_in_dim3A_1257 = arith.constant 94 : i32
      %broadcast_in_dim3A_1258 = vector.broadcast %broadcast_in_dim3A_1257 : i32 to vector<16xi32>
      %gather3A_1259 = tpu.vector_load_idx %arg7[%add3A_14, %broadcast_in_dim3A_1258] : memref<128x100xf32, #tpu.memory_space<vmem>>[vector<16xi32>, vector<16xi32>], vector<16xf32>,
      %sub3A_1260 = arith.subf %gather3A_1259, %max3A_410 : vector<16xf32>
      %mul3A_1261 = arith.constant 3.000000e+01 : f32
      %mul3A_1262 = vector.broadcast %mul3A_1261 : f32 to vector<16xf32>
      %mul3A_1263 = arith.mulf %sub3A_1260, %mul3A_1262 : vector<16xf32>
      %exp3A_1264 = math.exp %mul3A_1263 : vector<16xf32>
      %add3A_1265 = arith.addf %add3A_1256, %exp3A_1264 : vector<16xf32>
      %broadcast_in_dim3A_1266 = arith.constant 95 : i32
      %broadcast_in_dim3A_1267 = vector.broadcast %broadcast_in_dim3A_1266 : i32 to vector<16xi32>
      %gather3A_1268 = tpu.vector_load_idx %arg7[%add3A_14, %broadcast_in_dim3A_1267] : memref<128x100xf32, #tpu.memory_space<vmem>>[vector<16xi32>, vector<16xi32>], vector<16xf32>,
      %sub3A_1269 = arith.subf %gather3A_1268, %max3A_410 : vector<16xf32>
      %mul3A_1270 = arith.constant 3.000000e+01 : f32
      %mul3A_1271 = vector.broadcast %mul3A_1270 : f32 to vector<16xf32>
      %mul3A_1272 = arith.mulf %sub3A_1269, %mul3A_1271 : vector<16xf32>
      %exp3A_1273 = math.exp %mul3A_1272 : vector<16xf32>
      %add3A_1274 = arith.addf %add3A_1265, %exp3A_1273 : vector<16xf32>
      %broadcast_in_dim3A_1275 = arith.constant 96 : i32
      %broadcast_in_dim3A_1276 = vector.broadcast %broadcast_in_dim3A_1275 : i32 to vector<16xi32>
      %gather3A_1277 = tpu.vector_load_idx %arg7[%add3A_14, %broadcast_in_dim3A_1276] : memref<128x100xf32, #tpu.memory_space<vmem>>[vector<16xi32>, vector<16xi32>], vector<16xf32>,
      %sub3A_1278 = arith.subf %gather3A_1277, %max3A_410 : vector<16xf32>
      %mul3A_1279 = arith.constant 3.000000e+01 : f32
      %mul3A_1280 = vector.broadcast %mul3A_1279 : f32 to vector<16xf32>
      %mul3A_1281 = arith.mulf %sub3A_1278, %mul3A_1280 : vector<16xf32>
      %exp3A_1282 = math.exp %mul3A_1281 : vector<16xf32>
      %add3A_1283 = arith.addf %add3A_1274, %exp3A_1282 : vector<16xf32>
      %broadcast_in_dim3A_1284 = arith.constant 97 : i32
      %broadcast_in_dim3A_1285 = vector.broadcast %broadcast_in_dim3A_1284 : i32 to vector<16xi32>
      %gather3A_1286 = tpu.vector_load_idx %arg7[%add3A_14, %broadcast_in_dim3A_1285] : memref<128x100xf32, #tpu.memory_space<vmem>>[vector<16xi32>, vector<16xi32>], vector<16xf32>,
      %sub3A_1287 = arith.subf %gather3A_1286, %max3A_410 : vector<16xf32>
      %mul3A_1288 = arith.constant 3.000000e+01 : f32
      %mul3A_1289 = vector.broadcast %mul3A_1288 : f32 to vector<16xf32>
      %mul3A_1290 = arith.mulf %sub3A_1287, %mul3A_1289 : vector<16xf32>
      %exp3A_1291 = math.exp %mul3A_1290 : vector<16xf32>
      %add3A_1292 = arith.addf %add3A_1283, %exp3A_1291 : vector<16xf32>
      %broadcast_in_dim3A_1293 = arith.constant 98 : i32
      %broadcast_in_dim3A_1294 = vector.broadcast %broadcast_in_dim3A_1293 : i32 to vector<16xi32>
      %gather3A_1295 = tpu.vector_load_idx %arg7[%add3A_14, %broadcast_in_dim3A_1294] : memref<128x100xf32, #tpu.memory_space<vmem>>[vector<16xi32>, vector<16xi32>], vector<16xf32>,
      %sub3A_1296 = arith.subf %gather3A_1295, %max3A_410 : vector<16xf32>
      %mul3A_1297 = arith.constant 3.000000e+01 : f32
      %mul3A_1298 = vector.broadcast %mul3A_1297 : f32 to vector<16xf32>
      %mul3A_1299 = arith.mulf %sub3A_1296, %mul3A_1298 : vector<16xf32>
      %exp3A_1300 = math.exp %mul3A_1299 : vector<16xf32>
      %add3A_1301 = arith.addf %add3A_1292, %exp3A_1300 : vector<16xf32>
      %broadcast_in_dim3A_1302 = arith.constant 99 : i32
      %broadcast_in_dim3A_1303 = vector.broadcast %broadcast_in_dim3A_1302 : i32 to vector<16xi32>
      %gather3A_1304 = tpu.vector_load_idx %arg7[%add3A_14, %broadcast_in_dim3A_1303] : memref<128x100xf32, #tpu.memory_space<vmem>>[vector<16xi32>, vector<16xi32>], vector<16xf32>,
      %sub3A_1305 = arith.subf %gather3A_1304, %max3A_410 : vector<16xf32>
      %mul3A_1306 = arith.constant 3.000000e+01 : f32
      %mul3A_1307 = vector.broadcast %mul3A_1306 : f32 to vector<16xf32>
      %mul3A_1308 = arith.mulf %sub3A_1305, %mul3A_1307 : vector<16xf32>
      %exp3A_1309 = math.exp %mul3A_1308 : vector<16xf32>
      %add3A_1310 = arith.addf %add3A_1301, %exp3A_1309 : vector<16xf32>
      %mul3A_1311 = arith.constant 16 : i32
      %mul3A_1312 = arith.muli %scan3A_10, %mul3A_1311 : i32
      %get3A = arith.index_cast %mul3A_1312 : i32 to index
      %get3A_1313 = tpu.vector_load %arg8[%get3A] {strides = array<i32>} : memref<128xi32, #tpu.memory_space<vmem>>, vector<16xi32>,
      %gather3A_1314 = tpu.vector_load_idx %arg7[%add3A_14, %get3A_1313] : memref<128x100xf32, #tpu.memory_space<vmem>>[vector<16xi32>, vector<16xi32>], vector<16xf32>,
      %gather3A_1315 = tpu.vector_load_idx %arg9[%get3A_1313] : memref<128xf32, #tpu.memory_space<vmem>>[vector<16xi32>], vector<16xf32>,
      %sub3A_1316 = arith.subf %gather3A_1314, %gather3A_1315 : vector<16xf32>
      %sub3A_1317 = arith.subf %gather3A_1314, %max3A_410 : vector<16xf32>
      %mul3A_1318 = arith.constant 3.000000e+01 : f32
      %mul3A_1319 = vector.broadcast %mul3A_1318 : f32 to vector<16xf32>
      %mul3A_1320 = arith.mulf %sub3A_1317, %mul3A_1319 : vector<16xf32>
      %exp3A_1321 = math.exp %mul3A_1320 : vector<16xf32>
      %sub3A_1322 = arith.subf %add3A_1310, %exp3A_1321 : vector<16xf32>
      %sub3A_1323 = arith.subf %sub3A_1316, %max3A_410 : vector<16xf32>
      %mul3A_1324 = arith.constant 3.000000e+01 : f32
      %mul3A_1325 = vector.broadcast %mul3A_1324 : f32 to vector<16xf32>
      %mul3A_1326 = arith.mulf %sub3A_1323, %mul3A_1325 : vector<16xf32>
      %exp3A_1327 = math.exp %mul3A_1326 : vector<16xf32>
      %add3A_1328 = arith.addf %sub3A_1322, %exp3A_1327 : vector<16xf32>
      %mul3A_1329 = arith.constant 3.000000e+01 : f32
      %mul3A_1330 = vector.broadcast %mul3A_1329 : f32 to vector<16xf32>
      %mul3A_1331 = arith.mulf %mul3A_1330, %max3A_410 : vector<16xf32>
      %mul3A_1332 = arith.constant 3.000000e+01 : f32
      %mul3A_1333 = vector.broadcast %mul3A_1332 : f32 to vector<16xf32>
      %mul3A_1334 = arith.mulf %mul3A_1333, %sub3A_1316 : vector<16xf32>
      %sub3A_1335 = arith.subf %mul3A_1331, %mul3A_1334 : vector<16xf32>
      %mul3A_1336 = arith.constant 16 : i32
      %mul3A_1337 = arith.muli %scan3A_10, %mul3A_1336 : i32
      %swap3A = arith.index_cast %mul3A_1337 : i32 to index
      %swap3A_1338 = tpu.vector_load %arg10[%swap3A] {strides = array<i32>} : memref<128xf32, #tpu.memory_space<vmem>>, vector<16xf32>,
      tpu.vector_store %arg10[%swap3A], %add3A_1328 {strides = array<i32>} : memref<128xf32, #tpu.memory_space<vmem>>, vector<16xf32>,
      %mul3A_1339 = arith.constant 16 : i32
      %mul3A_1340 = arith.muli %scan3A_10, %mul3A_1339 : i32
      %swap3A_1341 = arith.index_cast %mul3A_1340 : i32 to index
      %swap3A_1342 = tpu.vector_load %arg11[%swap3A_1341] {strides = array<i32>} : memref<128xf32, #tpu.memory_space<vmem>>, vector<16xf32>,
      tpu.vector_store %arg11[%swap3A_1341], %sub3A_1335 {strides = array<i32>} : memref<128xf32, #tpu.memory_space<vmem>>, vector<16xf32>,
    }
    %scan3A_9 = arith.constant 8 : i32
    "tpu.region"() ({
      %run_scoped3A = tpu.sem_alloc : memref<!tpu.dma_semaphore, #tpu.memory_space<semaphore_mem>>
      %dma_start3A = tpu.memref_slice %arg5[%mul3A_2] : memref<4096xf32, #tpu.memory_space<hbm>> -> memref<128xf32, #tpu.memory_space<hbm>>
      %dma_start3A_10 = tpu.memref_slice %arg5[%mul3A_2] : memref<4096xf32, #tpu.memory_space<hbm>> -> memref<128xf32, #tpu.memory_space<hbm>>
      tpu.enqueue_dma source(%arg10 : memref<128xf32, #tpu.memory_space<vmem>>) target(%dma_start3A_10 : memref<128xf32, #tpu.memory_space<hbm>>) target_semaphore(%run_scoped3A : memref<!tpu.dma_semaphore, #tpu.memory_space<semaphore_mem>>)
      %dma_wait3A = tpu.memref_slice %arg5[%mul3A_2] : memref<4096xf32, #tpu.memory_space<hbm>> -> memref<128xf32, #tpu.memory_space<hbm>>
      %dma_wait3A_11 = tpu.memref_slice %arg5[%mul3A_2] : memref<4096xf32, #tpu.memory_space<hbm>> -> memref<128xf32, #tpu.memory_space<hbm>>
      tpu.wait_dma2 semaphore(%run_scoped3A : memref<!tpu.dma_semaphore, #tpu.memory_space<semaphore_mem>>) src(%arg10 : memref<128xf32, #tpu.memory_space<vmem>>) dst(%dma_wait3A_11 : memref<128xf32, #tpu.memory_space<hbm>>)
      tpu.yield
    }) : () -> ()
    "tpu.region"() ({
      %run_scoped3A = tpu.sem_alloc : memref<!tpu.dma_semaphore, #tpu.memory_space<semaphore_mem>>
      %dma_start3A = tpu.memref_slice %arg6[%mul3A_2] : memref<4096xf32, #tpu.memory_space<hbm>> -> memref<128xf32, #tpu.memory_space<hbm>>
      %dma_start3A_10 = tpu.memref_slice %arg6[%mul3A_2] : memref<4096xf32, #tpu.memory_space<hbm>> -> memref<128xf32, #tpu.memory_space<hbm>>
      tpu.enqueue_dma source(%arg11 : memref<128xf32, #tpu.memory_space<vmem>>) target(%dma_start3A_10 : memref<128xf32, #tpu.memory_space<hbm>>) target_semaphore(%run_scoped3A : memref<!tpu.dma_semaphore, #tpu.memory_space<semaphore_mem>>)
      %dma_wait3A = tpu.memref_slice %arg6[%mul3A_2] : memref<4096xf32, #tpu.memory_space<hbm>> -> memref<128xf32, #tpu.memory_space<hbm>>
      %dma_wait3A_11 = tpu.memref_slice %arg6[%mul3A_2] : memref<4096xf32, #tpu.memory_space<hbm>> -> memref<128xf32, #tpu.memory_space<hbm>>
      tpu.wait_dma2 semaphore(%run_scoped3A : memref<!tpu.dma_semaphore, #tpu.memory_space<semaphore_mem>>) src(%arg11 : memref<128xf32, #tpu.memory_space<vmem>>) dst(%dma_wait3A_11 : memref<128xf32, #tpu.memory_space<hbm>>)
      tpu.yield
    }) : () -> ()
    return
  }
}

module attributes {stable_mosaic.version = 14 : i64} {
  func.func @_combine_body(%arg0: memref<8x512xf32, #tpu.memory_space<vmem>>, %arg1: memref<8x512xf32, #tpu.memory_space<vmem>>, %arg2: memref<1x1xf32, #tpu.memory_space<vmem>>, %arg3: memref<1x1xf32, #tpu.memory_space<vmem>>) attributes {dimension_semantics = [], scalar_prefetch = 0 : i64, scratch_operands = 0 : i64, tpu.core_type = #tpu.core_type<tc>} {
    %get3A = arith.constant 0 : index
    %get3A_0 = arith.constant 0 : index
    %get3A_1 = vector.load %arg0[%get3A, %get3A_0] : memref<8x512xf32, #tpu.memory_space<vmem>>, vector<8x512xf32>
    %log3A = math.log %get3A_1 : vector<8x512xf32>
    %get3A_2 = arith.constant 0 : index
    %get3A_3 = arith.constant 0 : index
    %get3A_4 = vector.load %arg1[%get3A_2, %get3A_3] : memref<8x512xf32, #tpu.memory_space<vmem>>, vector<8x512xf32>
    %add3A = arith.addf %log3A, %get3A_4 : vector<8x512xf32>
    %reduce_sum3A = vector.shape_cast %add3A : vector<8x512xf32> to vector<1x8x512xf32>
    %reduce_sum3A_5 = arith.constant dense<0.000000e+00> : vector<1xf32>
    %reduce_sum3A_6 = vector.multi_reduction <add>, %reduce_sum3A, %reduce_sum3A_5 [1, 2] : vector<1x8x512xf32> to vector<1xf32>
    %reduce_sum3A_7 = vector.shape_cast %reduce_sum3A_6 : vector<1xf32> to vector<1x1x1xf32>
    %reduce_sum3A_8 = vector.extract %reduce_sum3A_7[0, 0, 0] : f32 from vector<1x1x1xf32>
    %get3A_9 = arith.constant 0 : index
    %get3A_10 = arith.constant 0 : index
    %get3A_11 = vector.load %arg2[%get3A_9, %get3A_10] : memref<1x1xf32, #tpu.memory_space<vmem>>, vector<1x1xf32>
    %get3A_12 = vector.extract %get3A_11[0, 0] : f32 from vector<1x1xf32>
    %add3A_13 = arith.addf %reduce_sum3A_8, %get3A_12 : f32
    %mul3A = arith.constant 6.10351563E-5 : f32
    %mul3A_14 = arith.mulf %add3A_13, %mul3A : f32
    %broadcast_in_dim3A = vector.broadcast %mul3A_14 : f32 to vector<1x1xf32>
    %swap3A = arith.constant 0 : index
    %swap3A_15 = arith.constant 0 : index
    %swap3A_16 = vector.load %arg3[%swap3A, %swap3A_15] : memref<1x1xf32, #tpu.memory_space<vmem>>, vector<1x1xf32>
    tpu.vector_store %arg3[%swap3A, %swap3A_15], %broadcast_in_dim3A {strides = array<i32>} : memref<1x1xf32, #tpu.memory_space<vmem>>, vector<1x1xf32>,
    return
  }
}

module attributes {stable_mosaic.version = 14 : i64} {
  func.func @_tc_body(%arg0: i32, %arg1: memref<4096x100xf32, #tpu.memory_space<vmem>>, %arg2: memref<1x100xf32, #tpu.memory_space<vmem>>, %arg3: memref<1x1x4096xi32, #tpu.memory_space<vmem>>, %arg4: memref<1x1xf32, #tpu.memory_space<vmem>>) attributes {dimension_semantics = [#tpu.dimension_semantics<arbitrary>], iteration_bounds = array<i64: 3>, scalar_prefetch = 0 : i64, scratch_operands = 0 : i64, tpu.core_type = #tpu.core_type<tc>, window_params = [{transform_indices = @transform_0, window_bounds = array<i64: 4096, 100>}, {pipeline_mode = #tpu.pipeline_mode<synchronous>, transform_indices = @transform_1, window_bounds = array<i64: 1, 100>}, {transform_indices = @transform_2, window_bounds = array<i64: 1, 1, 4096>}, {pipeline_mode = #tpu.pipeline_mode<synchronous>, transform_indices = @transform_3, window_bounds = array<i64: 1, 1>}]} {
    %get3A = arith.constant 0 : index
    %get3A_0 = arith.constant 0 : index
    %get3A_1 = vector.load %arg1[%get3A, %get3A_0] : memref<4096x100xf32, #tpu.memory_space<vmem>>, vector<4096x100xf32>
    %get3A_2 = arith.constant 0 : index
    %get3A_3 = arith.constant 0 : index
    %get3A_4 = arith.constant 0 : index
    %get3A_5 = vector.load %arg3[%get3A_2, %get3A_3, %get3A_4] : memref<1x1x4096xi32, #tpu.memory_space<vmem>>, vector<1x1x4096xi32>
    %get3A_6 = vector.shape_cast %get3A_5 : vector<1x1x4096xi32> to vector<4096xi32>
    %get3A_7 = arith.constant 0 : index
    %get3A_8 = arith.constant 0 : index
    %get3A_9 = vector.load %arg2[%get3A_7, %get3A_8] : memref<1x100xf32, #tpu.memory_space<vmem>>, vector<1x100xf32>
    %get3A_10 = vector.shape_cast %get3A_9 : vector<1x100xf32> to vector<100xf32>
    %broadcast_in_dim3A = arith.constant 1.000000e+00 : f32
    %broadcast_in_dim3A_11 = vector.broadcast %broadcast_in_dim3A : f32 to vector<100x1xf32>
    %iota3A = tpu.iota {dimensions = array<i32: 1>} : vector<4096x100xi32>
    %broadcast_in_dim3A_12 = vector.shape_cast %get3A_6 : vector<4096xi32> to vector<4096x1xi32>
    %eq3A = vector.broadcast %broadcast_in_dim3A_12 : vector<4096x1xi32> to vector<4096x100xi32>
    %eq3A_13 = arith.cmpi eq, %iota3A, %eq3A : vector<4096x100xi32>
    %jit3A = arith.constant 0.000000e+00 : f32
    %broadcast_in_dim3A_14 = vector.broadcast %jit3A : f32 to vector<4096x100xf32>
    %select_n3A = arith.select %eq3A_13, %get3A_1, %broadcast_in_dim3A_14 : vector<4096x100xi1>, vector<4096x100xf32>
    %dot_general3A = arith.constant dense<0.000000e+00> : vector<4096x1xf32>
    %dot_general3A_15 = tpu.matmul %select_n3A, %broadcast_in_dim3A_11, %dot_general3A {dimension_numbers = #tpu.dot_dimension_numbers<[1], [0], [0], [1], [0, 0, 1, 1], [], []>, transpose_lhs_hint = false} : vector<4096x100xf32>, vector<100x1xf32>, vector<4096x1xf32> -> vector<4096x1xf32>
    %squeeze3A = vector.shape_cast %dot_general3A_15 : vector<4096x1xf32> to vector<4096xf32>
    %broadcast_in_dim3A_16 = vector.shape_cast %get3A_10 : vector<100xf32> to vector<1x100xf32>
    %jit3A_17 = arith.constant 0.000000e+00 : f32
    %broadcast_in_dim3A_18 = vector.shape_cast %broadcast_in_dim3A_16 : vector<1x100xf32> to vector<1x100xf32>
    %broadcast_in_dim3A_19 = vector.broadcast %broadcast_in_dim3A_18 : vector<1x100xf32> to vector<4096x100xf32>
    %broadcast_in_dim3A_20 = vector.broadcast %jit3A_17 : f32 to vector<4096x100xf32>
    %select_n3A_21 = arith.select %eq3A_13, %broadcast_in_dim3A_19, %broadcast_in_dim3A_20 : vector<4096x100xi1>, vector<4096x100xf32>
    %dot_general3A_22 = arith.constant dense<0.000000e+00> : vector<4096x1xf32>
    %dot_general3A_23 = tpu.matmul %select_n3A_21, %broadcast_in_dim3A_11, %dot_general3A_22 {dimension_numbers = #tpu.dot_dimension_numbers<[1], [0], [0], [1], [0, 0, 1, 1], [], []>, transpose_lhs_hint = false} : vector<4096x100xf32>, vector<100x1xf32>, vector<4096x1xf32> -> vector<4096x1xf32>
    %squeeze3A_24 = vector.shape_cast %dot_general3A_23 : vector<4096x1xf32> to vector<4096xf32>
    %reduce_max3A = arith.constant dense<0xFF800000> : vector<4096xf32>
    %reduce_max3A_25 = vector.multi_reduction <maximumf>, %get3A_1, %reduce_max3A [1] : vector<4096x100xf32> to vector<4096xf32>
    %mul3A = arith.constant 3.000000e+01 : f32
    %mul3A_26 = vector.broadcast %mul3A : f32 to vector<4096x100xf32>
    %mul3A_27 = arith.mulf %mul3A_26, %get3A_1 : vector<4096x100xf32>
    %mul3A_28 = arith.constant 3.000000e+01 : f32
    %mul3A_29 = vector.broadcast %mul3A_28 : f32 to vector<4096xf32>
    %mul3A_30 = arith.mulf %mul3A_29, %reduce_max3A_25 : vector<4096xf32>
    %broadcast_in_dim3A_31 = vector.shape_cast %mul3A_30 : vector<4096xf32> to vector<4096x1xf32>
    %sub3A = vector.broadcast %broadcast_in_dim3A_31 : vector<4096x1xf32> to vector<4096x100xf32>
    %sub3A_32 = arith.subf %mul3A_27, %sub3A : vector<4096x100xf32>
    %exp3A = math.exp %sub3A_32 : vector<4096x100xf32>
    %dot_general3A_33 = arith.constant dense<0.000000e+00> : vector<4096x1xf32>
    %dot_general3A_34 = tpu.matmul %exp3A, %broadcast_in_dim3A_11, %dot_general3A_33 {dimension_numbers = #tpu.dot_dimension_numbers<[1], [0], [0], [1], [0, 0, 1, 1], [], []>, transpose_lhs_hint = false} : vector<4096x100xf32>, vector<100x1xf32>, vector<4096x1xf32> -> vector<4096x1xf32>
    %squeeze3A_35 = vector.shape_cast %dot_general3A_34 : vector<4096x1xf32> to vector<4096xf32>
    %jit3A_36 = arith.constant 0.000000e+00 : f32
    %broadcast_in_dim3A_37 = vector.broadcast %jit3A_36 : f32 to vector<4096x100xf32>
    %select_n3A_38 = arith.select %eq3A_13, %exp3A, %broadcast_in_dim3A_37 : vector<4096x100xi1>, vector<4096x100xf32>
    %dot_general3A_39 = arith.constant dense<0.000000e+00> : vector<4096x1xf32>
    %dot_general3A_40 = tpu.matmul %select_n3A_38, %broadcast_in_dim3A_11, %dot_general3A_39 {dimension_numbers = #tpu.dot_dimension_numbers<[1], [0], [0], [1], [0, 0, 1, 1], [], []>, transpose_lhs_hint = false} : vector<4096x100xf32>, vector<100x1xf32>, vector<4096x1xf32> -> vector<4096x1xf32>
    %squeeze3A_41 = vector.shape_cast %dot_general3A_40 : vector<4096x1xf32> to vector<4096xf32>
    %sub3A_42 = arith.subf %squeeze3A_35, %squeeze3A_41 : vector<4096xf32>
    %sub3A_43 = arith.subf %squeeze3A, %squeeze3A_24 : vector<4096xf32>
    %sub3A_44 = arith.subf %sub3A_43, %reduce_max3A_25 : vector<4096xf32>
    %mul3A_45 = arith.constant 3.000000e+01 : f32
    %mul3A_46 = vector.broadcast %mul3A_45 : f32 to vector<4096xf32>
    %mul3A_47 = arith.mulf %mul3A_46, %sub3A_44 : vector<4096xf32>
    %exp3A_48 = math.exp %mul3A_47 : vector<4096xf32>
    %add3A = arith.addf %sub3A_42, %exp3A_48 : vector<4096xf32>
    %mul3A_49 = arith.constant 3.000000e+01 : f32
    %mul3A_50 = vector.broadcast %mul3A_49 : f32 to vector<4096xf32>
    %mul3A_51 = arith.mulf %mul3A_50, %reduce_max3A_25 : vector<4096xf32>
    %log3A = math.log %add3A : vector<4096xf32>
    %add3A_52 = arith.addf %mul3A_51, %log3A : vector<4096xf32>
    %sub3A_53 = arith.subf %squeeze3A, %squeeze3A_24 : vector<4096xf32>
    %mul3A_54 = arith.constant 3.000000e+01 : f32
    %mul3A_55 = vector.broadcast %mul3A_54 : f32 to vector<4096xf32>
    %mul3A_56 = arith.mulf %mul3A_55, %sub3A_53 : vector<4096xf32>
    %sub3A_57 = arith.subf %add3A_52, %mul3A_56 : vector<4096xf32>
    %reduce_sum3A = vector.shape_cast %sub3A_57 : vector<4096xf32> to vector<1x4096xf32>
    %reduce_sum3A_58 = arith.constant dense<0.000000e+00> : vector<1xf32>
    %reduce_sum3A_59 = vector.multi_reduction <add>, %reduce_sum3A, %reduce_sum3A_58 [1] : vector<1x4096xf32> to vector<1xf32>
    %reduce_sum3A_60 = vector.shape_cast %reduce_sum3A_59 : vector<1xf32> to vector<1x1xf32>
    %reduce_sum3A_61 = vector.extract %reduce_sum3A_60[0, 0] : f32 from vector<1x1xf32>
    %broadcast_in_dim3A_62 = vector.broadcast %reduce_sum3A_61 : f32 to vector<1x1xf32>
    %eq3A_63 = arith.constant 0 : i32
    %eq3A_64 = arith.cmpi eq, %arg0, %eq3A_63 : i32
    %convert_element_type3A = arith.extui %eq3A_64 : i1 to i32
    %cond3A = arith.constant 0 : i32
    %cond3A_65 = arith.cmpi ne, %convert_element_type3A, %cond3A : i32
    scf.if %cond3A_65 {
      %broadcast_in_dim3A_72 = arith.constant 0.000000e+00 : f32
      %broadcast_in_dim3A_73 = vector.broadcast %broadcast_in_dim3A_72 : f32 to vector<1x1xf32>
      %swap3A_74 = arith.constant 0 : index
      %swap3A_75 = arith.constant 0 : index
      %swap3A_76 = vector.load %arg4[%swap3A_74, %swap3A_75] : memref<1x1xf32, #tpu.memory_space<vmem>>, vector<1x1xf32>
      tpu.vector_store %arg4[%swap3A_74, %swap3A_75], %broadcast_in_dim3A_73 {strides = array<i32>} : memref<1x1xf32, #tpu.memory_space<vmem>>, vector<1x1xf32>,
    } else {
    }
    %get3A_66 = arith.constant 0 : index
    %get3A_67 = arith.constant 0 : index
    %get3A_68 = vector.load %arg4[%get3A_66, %get3A_67] : memref<1x1xf32, #tpu.memory_space<vmem>>, vector<1x1xf32>
    %add3A_69 = arith.addf %get3A_68, %broadcast_in_dim3A_62 : vector<1x1xf32>
    %swap3A = arith.constant 0 : index
    %swap3A_70 = arith.constant 0 : index
    %swap3A_71 = vector.load %arg4[%swap3A, %swap3A_70] : memref<1x1xf32, #tpu.memory_space<vmem>>, vector<1x1xf32>
    tpu.vector_store %arg4[%swap3A, %swap3A_70], %add3A_69 {strides = array<i32>} : memref<1x1xf32, #tpu.memory_space<vmem>>, vector<1x1xf32>,
    return
  }
  func.func @transform_0(%arg0: i32) -> (i32, i32) {
    %c0_i32 = arith.constant 0 : i32
    %c0_i32_0 = arith.constant 0 : i32
    return %arg0, %c0_i32 : i32, i32
  }
  func.func @transform_1(%arg0: i32) -> (i32, i32) {
    %c0_i32 = arith.constant 0 : i32
    %c0_i32_0 = arith.constant 0 : i32
    %c0_i32_1 = arith.constant 0 : i32
    return %c0_i32, %c0_i32_0 : i32, i32
  }
  func.func @transform_2(%arg0: i32) -> (i32, i32, i32) {
    %c0_i32 = arith.constant 0 : i32
    %c0_i32_0 = arith.constant 0 : i32
    %c0_i32_1 = arith.constant 0 : i32
    return %arg0, %c0_i32, %c0_i32_0 : i32, i32, i32
  }
  func.func @transform_3(%arg0: i32) -> (i32, i32) {
    %c0_i32 = arith.constant 0 : i32
    %c0_i32_0 = arith.constant 0 : i32
    %c0_i32_1 = arith.constant 0 : i32
    return %c0_i32, %c0_i32_0 : i32, i32
  }
}

</mosaic_0001>

<sc_bundles>
// kernel: kernel.5.cloned.1.call-start
scs
__scs_entry_jumppad:
0x0: {  	(pc) =	sbr.rel $0x88, $3  }
0x1: {  	(tag) =	ssettag $0x0;
	lr =	simm.s32 $0x1  }
0x2: {  	[smem:$0x3F9E] =	sst lr;
	_ =	strace $0xD0000000  }
0x3: {  	_ = 	snop  }
0x4: {  	_ = 	snop  }
0x5: {  	_ = 	snop  }
0x6: {  	_ = 	snop  }
0x7: {  	_ = 	snop  }
__scs_overlays_trampoline_lowered:
0x8: {  	[smem:$0x3FAD] =	sst s0  }
0x9: {  	[smem:$0x3FAE] =	sst s1  }
0xa: {  	[smem:$0x3FAF] =	sst s2  }
0xb: {  	[smem:$0x3FB0] =	sst s3  }
0xc: {  	[smem:$0x3FB1] =	sst s4  }
0xd: {  	[smem:$0x3FB2] =	sst s5  }
0xe: {  	[smem:$0x3FB3] =	sst s6  }
0xf: {  	[smem:$0x3FB4] =	sst s7  }
0x10: {  	[smem:$0x3FB5] =	sst s8  }
0x11: {  	[smem:$0x3FB6] =	sst s9;
	s0 =	simm.s32 @!p0 $0x0  }
0x12: {  	s1 =	sld [smem:$0x3F9C];
	s0 =	simm.s32 @p0 $0x1  }
0x13: {  	[smem:$0x3FB7] =	sst s0;
	s0 =	simm.s32 @!p1 $0x0  }
0x14: {  	s2 =	sld [smem:$0x3F9B];
	s0 =	simm.s32 @p1 $0x1  }
0x15: {  	[smem:$0x3FB8] =	sst s0;
	s0 =	simm.s32 @!p2 $0x0  }
0x16: {  	s3 =	sld [smem:$0x3FDB];
	s0 =	simm.s32 @p2 $0x1  }
0x17: {  	s4 =	simm.s32 $0x1BF5;
	[smem:$0x3FBA] =	sst s0  }
0x18: {  	s0 =	sld [smem:$0x3F9D];
	_ =	swait.ge [sflag:s4], $0x0  }
0x19: {  	s7 =	sld [smem:$0x3F9E]  }
0x1a: {  	s8 =	sadd.s32 $0xFFFFE003, lr  }
0x1b: {  	s9 =	sadd.s32 $0xFFFFFEF7, lr;
	s5 =	simm.s32 $0xFFFFFFFF;
	p2 =	slt.u32 s8, $0xFFFFF086  }
0x1c: {  	p1 =	slt.u32 s9, $0xF7A;
	s5 =	simm.s32 @!p2 $0x0  }
0x1d: {  	s5 =	simm.s32 @p1 $0x1;
	p0 =	seq.s32 s7, s2  }
0x1e: {  	s7 =	smul.u32 @!p0 $0xF7A, s2;
	p2 =	seq.s32 @!p0 s5, $0x0  }
0x1f: {  	s9 =	smul.u32 $0xF7A, s1;
	s8 =	simm.s32 @!p0 $0x1BF5;
	p2 =	por !p2, p0  }
0x20: {  	[sflag:s8] =	ssyncset.s32 @!p0 $0xFFFFF086;
	s6 =	sadd.s32 @!p0 s3, s7;
	s7 =	simm.s32 @!p0 $0x108  }
0x21: {  	s3 =	sadd.s32 s3, s9;
	s6 =	sadd.s32 @!p0 $0x88, s6;
	s7 =	simm.s32 @p2 $0x1082  }
0x22: {  	[simem:s7], [sflag:s8] =	dma.local @!p0 [hbm:s6], $0xF7A  }
0x23: {  	s9 =	sor.u32 $0xD0000000, s2;
	s6 =	simm.s32 $0x108;
	_ =	swait.ge @!p0 [sflag:s8], $0x0  }
0x24: {  	s3 =	sadd.s32 $0x88, s3;
	s6 =	simm.s32 @!p1 $0x1082;
	[sflag:s4] =	ssyncset.s32 $0xFFFFF086  }
0x25: {  	[simem:s6], [sflag:s4] =	dma.local [hbm:s3], $0xF7A  }
0x26: {  	[smem:$0x3F9E] =	sst s1;
	(tag) =	ssettag s2;
	_ =	strace s9  }
0x27: {  	s1 =	sld [smem:$0x3FAE]  }
0x28: {  	s2 =	sld [smem:$0x3FAF]  }
0x29: {  	s4 =	sld [smem:$0x3FB1]  }
0x2a: {  	p0 =	seq.s32 s5, $0x0;
	s5 =	sld [smem:$0x3FB2]  }
0x2b: {  	s6 =	sld [smem:$0x3FB3]  }
0x2c: {  	s7 =	sld [smem:$0x3FB4]  }
0x2d: {  	s3 =	simm.s32 $0x108;
	s8 =	sld [smem:$0x3FB5]  }
0x2e: {  	s3 =	simm.s32 @!p0 $0x1082;
	s9 =	sld [smem:$0x3FB6]  }
0x2f: {  	lr =	sadd.s32 s0, s3;
	s0 =	sld [smem:$0x3FAD]  }
0x30: {  	s3 =	sld [smem:$0x3FB0]  }
0x31: {  	[smem:$0x3FB9] =	sst s10  }
0x32: {  	s10 =	sld [smem:$0x3FB7];
	_ =	sdelay $0x3  }
0x33: {  	p0 =	seq.s32 s10, $0x1;
	s10 =	sld [smem:$0x3FB9];
	_ =	sdelay $0x3  }
0x34: {  	[smem:$0x3FB9] =	sst s10  }
0x35: {  	s10 =	sld [smem:$0x3FB8];
	_ =	sdelay $0x3  }
0x36: {  	p1 =	seq.s32 s10, $0x1;
	s10 =	sld [smem:$0x3FB9];
	_ =	sdelay $0x3  }
0x37: {  	[smem:$0x3FB9] =	sst s10  }
0x38: {  	s10 =	sld [smem:$0x3FBA]  }
0x39: {  	_ = 	snop;
	(pc) =	sbr.ind lr, $3  }
0x3a: {  	_ = 	snop  }
0x3b: {  	_ = 	snop  }
0x3c: {  	p2 =	seq.s32 s10, $0x1;
	s10 =	sld [smem:$0x3FB9]  }
0x3d: {  	_ =	shalt  }
0x3e: {  	_ =	shalt  }
0x3f: {  	_ =	shalt  }
0x40: {  	_ =	shalt  }
0x41: {  	_ =	shalt  }
0x42: {  	_ =	shalt  }
0x43: {  	_ =	shalt  }
0x44: {  	_ =	shalt  }
0x45: {  	_ =	shalt  }
0x46: {  	_ =	shalt  }
0x47: {  	_ =	shalt  }
0x48: {  	_ =	shalt  }
0x49: {  	_ =	shalt  }
0x4a: {  	_ =	shalt  }
0x4b: {  	_ =	shalt  }
0x4c: {  	_ =	shalt  }
0x4d: {  	_ =	shalt  }
0x4e: {  	_ =	shalt  }
0x4f: {  	_ =	shalt  }
0x50: {  	_ =	shalt  }
0x51: {  	_ =	shalt  }
0x52: {  	_ =	shalt  }
0x53: {  	_ =	shalt  }
0x54: {  	_ =	shalt  }
0x55: {  	_ =	shalt  }
0x56: {  	_ =	shalt  }
0x57: {  	_ =	shalt  }
0x58: {  	_ =	shalt  }
0x59: {  	_ =	shalt  }
0x5a: {  	_ =	shalt  }
0x5b: {  	_ =	shalt  }
0x5c: {  	_ =	shalt  }
0x5d: {  	_ =	shalt  }
0x5e: {  	_ =	shalt  }
0x5f: {  	_ =	shalt  }
0x60: {  	_ =	shalt  }
0x61: {  	_ =	shalt  }
0x62: {  	_ =	shalt  }
0x63: {  	_ =	shalt  }
0x64: {  	_ =	shalt  }
0x65: {  	_ =	shalt  }
0x66: {  	_ =	shalt  }
0x67: {  	_ =	shalt  }
0x68: {  	_ =	shalt  }
0x69: {  	_ =	shalt  }
0x6a: {  	_ =	shalt  }
0x6b: {  	_ =	shalt  }
0x6c: {  	_ =	shalt  }
0x6d: {  	_ =	shalt  }
0x6e: {  	_ =	shalt  }
0x6f: {  	_ =	shalt  }
0x70: {  	_ =	shalt  }
0x71: {  	_ =	shalt  }
0x72: {  	_ =	shalt  }
0x73: {  	_ =	shalt  }
0x74: {  	_ =	shalt  }
0x75: {  	_ =	shalt  }
0x76: {  	_ =	shalt  }
0x77: {  	_ =	shalt  }
0x78: {  	_ =	shalt  }
0x79: {  	_ =	shalt  }
0x7a: {  	_ =	shalt  }
0x7b: {  	_ =	shalt  }
0x7c: {  	_ =	shalt  }
0x7d: {  	_ =	shalt  }
0x7e: {  	_ =	shalt  }
0x7f: {  	_ =	shalt  }
0x80: {  	_ =	shalt  }
0x81: {  	_ =	shalt  }
0x82: {  	_ =	shalt  }
0x83: {  	_ =	shalt  }
0x84: {  	_ =	shalt  }
0x85: {  	_ =	shalt  }
0x86: {  	_ =	shalt  }
0x87: {  	_ =	shalt  }
.Lfunc_end0:
.L_simem_size_0:
called_computation_lowered:
.L_overlay_start_0:
0x88: {  	s2 =	sld [smem:$0x3FD9]  }
0x89: {  	s3 =	sld [smem:$0x3FFE];
	_ =	sdelay $0x1  }
0x8a: {  	s1 =	srdreg.scid  }
0x8b: {  	s0 =	sand.u32 $0x1, s1  }
0x8c: {  	s17 =	sshll.u32 s0, $0xA;
	s2 =	sadd.s32 s3, s2  }
0x8d: {  	s2 =	sadd.s32 s2, s17  }
0x8e: {  	[smem:$0x3FC5] =	sst s2  }
0x8f: {  	_ = 	snop  }
0x90: {  	s2 =	sld [smem:$0x3FC7]  }
0x91: {  	s18 =	sld [smem:$0x3FD0];
	(tm) =	ssettm $0x1  }
0x92: {  	s4 =	sld [smem:$0x3FFB];
	_ =	sdelay $0x3  }
0x93: {  	_ =	strace s4  }
0x94: {  	s4 =	sld [smem:$0x3FFC];
	_ =	sdelay $0x3  }
0x95: {  	_ =	strace s4  }
0x96: {  	s4 =	sld [smem:$0x3FFD];
	_ =	sdelay $0x3  }
0x97: {  	_ =	strace s4  }
0x98: {  	_ =	strace $0x8FFFFFFF  }
0x99: {  	s19 =	sld [smem:$0x3FDB];
	_ =	sdelay $0x1  }
0x9a: {  	s5 =	simm.s32 $_scs_section_size  }
0x9b: {  	s6 =	simm.s32 $_size__tile_overlayer_lowered;
	s7 =	simm.s32 $_tile_overlayer_lowered  }
0x9c: {  	s22 =	simm.s32 $0x1BFF;
	s21 =	sshll.u32 s7, $0x1;
	s4 =	sadd.s32 s5, s19  }
0x9d: {  	s8 =	simm.s32 $0x0;
	s20 =	sshll.u32 s6, $0x1;
	s6 =	sadd.s32 s21, s4  }
0x9e: {  	[timem:s8], [sflag:s22] =	dma.local [hbm:s6], s20  }
0x9f: {  	_ =	swait.ge [sflag:s22], s20  }
0xa0: {  	s5 =	ssub.s32 $0x0, s20;
	[sflag:s22] =	ssyncset.done $0x0  }
0xa1: {  	[sflag:s22] =	ssyncadd.s32 s5;
	_ =	sdelay $0x1  }
0xa2: {  	s23 =	simm.s32 $0x1B8B  }
0xa3: {  	_ =	swait.ge [sflag:s23], $0x1  }
0xa4: {  	[sflag:s23] =	ssyncset.done $0x0  }
0xa5: {  	s25 =	simm.s32 $0x1B8E;
	s24 =	sld [smem:$0x3FFE];
	[sflag:s23] =	ssyncadd.s32 $0xFFFFFFFF  }
0xa6: {  	s26 =	simm.s32 $execute0_lowered;
	[smem:$0x3FD2] =	sst s25  }
0xa7: {  	s6 =	sshll.u32 s26, $0x1;
	_ =	strace $0x80000046;
	[dreg:$0x1] =	wrdreg $0xFFFFFFFF  }
0xa8: {  	s28 =	simm.s32 $_size_execute0_lowered;
	s4 =	sadd.s32 s4, s6;
	[dreg:$0x0] =	wrdreg $0x0  }
0xa9: {  	s6 =	sshll.u32 s28, $0x1;
	[dreg:$0x2] =	wrdreg s4  }
0xaa: {  	[dreg:$0x3] =	wrdreg s6  }
0xab: {  	[dreg:$0x4] =	wrdreg $0xC0  }
0xac: {  	_ =	task [dreg:s8], $0x5FFFF  }
0xad: {  	[dreg:$0x1] =	wrdreg $0xFFFFFFFF  }
0xae: {  	[dreg:$0x0] =	wrdreg $0x60  }
0xaf: {  	[dreg:$0x2] =	wrdreg s24  }
0xb0: {  	[dreg:$0x3] =	wrdreg s18  }
0xb1: {  	[dreg:$0x4] =	wrdreg s2  }
0xb2: {  	[dreg:$0x5] =	wrdreg $0x9  }
0xb3: {  	_ =	task.clear_ibuf [dreg:s8], $0x6FFFF;
	_ =	strace $0x90000046  }
0xb4: {  	s29 =	simm.s32 $0x9;
	_ =	strace $0x80000048  }
0xb5: {  	_ =	swait.ge [sflag:s29], $0x1  }
0xb6: {  	[sflag:s29] =	ssyncadd.s32 $0xFFFFFFFF  }
0xb7: {  	_ =	strace $0x90000048  }
0xb8: {  	_ =	sfence  }
0xb9: {  	s30 =	sld [smem:$0x0];
	_ =	sdelay $0x2  }
0xba: {  	s31 =	sshll.u32 s1, $0xD;
	s1 =	sshrl.u32 s1, $0x2  }
0xbb: {  	s3 =	sand.u32 $0x4000, s31;
	s1 =	sadd.s32 s1, s30  }
0xbc: {  	s0 =	sor.u32 s3, s0;
	s1 =	sshll.u32 s1, $0x11  }
0xbd: {  	s0 =	sor.u32 s1, s0  }
0xbe: {  	s0 =	sadd.s32 $0x8F2B, s0  }
0xbf: {  	[sflag:s0] =	ssyncadd.remote.s32 $0x1  }
0xc0: {  	_ =	sfence.sel $0xFFFF  }
0xc1: {  	[dreg:$0x0] =	wrdreg $0xFFFFFFFF;
	(pc) =	sbr.abs _section_cstart, $3  }
0xc2: {  	[dreg:$0x1] =	wrdreg $0xFFFFFFFF  }
0xc3: {  	_ =	task.clear_ibuf [dreg:s8], $0x2FFFF;
	_ =	strace $0x9FFFFFFF  }
0xc4: {  	(tm) =	ssettm $0x7FFFFFFF  }
0xc5: {  	_ =	shalt  }
tec
execute0_lowered:
.L_overlay_start_1:
0x0: {  	(tag) =	ssettag $0x1  }
0x1: {  	s4 =	rddreg [dreg:$0x0]  }
0x2: {  	s2 =	rddreg [dreg:$0x1]  }
0x3: {  	s5 =	rddreg [dreg:$0x2]  }
0x4: {  	s3 =	srdreg.scid;
	s0 =	rddreg [dreg:$0x3]  }
0x5: {  	s1 =	stileid.u32;
	s11 =	simm.s32 $0x4100;
	s12 =	simm.s32 $0x4180  }
0x6: {  	s13 =	simm.s32 $0x0;
	s6 =	sand.u32 $0x1, s3;
	s3 =	simm.s32 $0x0  }
0x7: {  	s7 =	sshll.u32 s1, $0x8;
	s8 =	sshll.u32 s6, $0x7;
	[smem:$0x7FF] =	sst s3  }
0x8: {  	s6 =	ssub.s32 $0x2, s6;
	s7 =	sor.u32 s8, s7;
	_ =	strace $0x80000047  }
0x9: {  	s30 =	sshrl.u32 s6, $0x1;
	s8 =	sor.u32 $0x3000, s7;
	s7 =	sshrl.u32 s7, $0x3  }
0xa: {  	v0 =	vlaneseq.u32;
	s10 =	ssub.s32 s6, s30;
	s9 =	sshll.u32 s8, $0x4;
	s7 =	sadd.s32 s7, s4  }
0xb: {  	v0 =	vmul.u32 $0x80, v0;
	s31 =	sshrl.u32 s8, $0x3;
	s8 =	smax.u32 s10, $0x1;
	s10 =	simm.s32 $0x4080  }
0xc: {  	s9 =	sadd.s32 s9, s4;
	s5 =	sadd.s32 s5, s31;
	s6 =	sadd.s32 $0x40E00, s7  }
0xd: {  	[tilespmem:$0x1FFF0] =	vst v0;
	s7 =	sadd.s32 $0x41000, s7;
	s4 =	sadd.s32 $0xE00, s9;
	s9 =	simm.s32 $0x1  }
.LBB2_1:
0xe: {  	[tilespmem:s3], [sflag:$0x1] =	stream.linear.gather [hbm4b:s4+s3], $0x4000, $0x38;
	[tilespmem:$0x4200] =	vst v63  }
0xf: {  	_ =	swait.ge [sflag:s9], $0x4000  }
0x10: {  	[sflag:s9] =	ssyncset.done $0x0  }
0x11: {  	s14 =	simm.s32 $0x4000;
	[sflag:s9] =	ssyncadd.s32 $0xFFFFC000  }
0x12: {  	[tilespmem:s14], [sflag:$0x1] =	stream.linear.gather [hbm4b:s5+s3], $0x80, $0x38;
	[tilespmem:$0x4200] =	vst v63  }
0x13: {  	_ =	swait.ge [sflag:s9], $0x80  }
0x14: {  	[sflag:s9] =	ssyncset.done $0x0  }
0x15: {  	[sflag:s9] =	ssyncadd.s32 $0xFFFFFF80  }
0x16: {  	[tilespmem:s10], [sflag:$0x1] =	stream.linear.gather [hbm4b:s2+s3], $0x80, $0x38;
	[tilespmem:$0x4200] =	vst v63  }
0x17: {  	_ =	swait.ge [sflag:s9], $0x80  }
0x18: {  	s15 =	simm.s32 $0x4180;
	[sflag:s9] =	ssyncset.done $0x0  }
0x19: {  	s16 =	simm.s32 $0x4100;
	s17 =	simm.s32 $0x0;
	[sflag:s9] =	ssyncadd.s32 $0xFFFFFF80  }
.LBB2_2:
0x1a: {  	v1 =	vld [tilespmem:$0x1FFF0];
	_ =	sdelay $0x2  }
0x1b: {  	v0 =	vmov s17  }
0x1c: {  	v0 =	vshll.u32 v0, $0x7  }
0x1d: {  	v1 =	vor.u32 v1, v0  }
0x1e: {  	v2 =	vor.u32 $0x1, v1  }
0x1f: {  	v4 =	vor.u32 $0x2, v1  }
0x20: {  	v5 =	vor.u32 $0x3, v1  }
0x21: {  	v6 =	vor.u32 $0x4, v1  }
0x22: {  	v7 =	vor.u32 $0x5, v1;
	v47 =	vld.idx.msk [tilespmem:v1+s3+$0x0], $0xffff  }
0x23: {  	v57 =	vor.u32 $0x6, v1;
	v46 =	vld.idx.msk [tilespmem:v2+s3+$0x0], $0xffff  }
0x24: {  	v9 =	vor.u32 $0x7, v1;
	v48 =	vld.idx.msk [tilespmem:v4+s3+$0x0], $0xffff  }
0x25: {  	v10 =	vor.u32 $0x8, v1;
	v49 =	vld.idx.msk [tilespmem:v5+s3+$0x0], $0xffff  }
0x26: {  	v11 =	vor.u32 $0x9, v1;
	v51 =	vld.idx.msk [tilespmem:v6+s3+$0x0], $0xffff  }
0x27: {  	v12 =	vor.u32 $0xA, v1;
	v50 =	vld.idx.msk [tilespmem:v7+s3+$0x0], $0xffff  }
0x28: {  	v58 =	vor.u32 $0xB, v1;
	v52 =	vld.idx.msk [tilespmem:v57+s3+$0x0], $0xffff;
	v13 =	vmax.f32 v47, v46  }
0x29: {  	v14 =	vor.u32 $0xC, v1;
	v53 =	vld.idx.msk [tilespmem:v9+s3+$0x0], $0xffff;
	v13 =	vmax.f32 v13, v48  }
0x2a: {  	v15 =	vor.u32 $0xD, v1;
	v54 =	vld.idx.msk [tilespmem:v10+s3+$0x0], $0xffff;
	v13 =	vmax.f32 v13, v49  }
0x2b: {  	v16 =	vor.u32 $0xE, v1;
	v55 =	vld.idx.msk [tilespmem:v11+s3+$0x0], $0xffff;
	v13 =	vmax.f32 v13, v51  }
0x2c: {  	v17 =	vor.u32 $0xF, v1;
	v12 =	vld.idx.msk [tilespmem:v12+s3+$0x0], $0xffff;
	v13 =	vmax.f32 v13, v50  }
0x2d: {  	v59 =	vor.u32 $0x10, v1;
	v18 =	vmax.f32 v13, v52;
	v13 =	vld.idx.msk [tilespmem:v58+s3+$0x0], $0xffff  }
0x2e: {  	v19 =	vor.u32 $0x11, v1;
	v14 =	vld.idx.msk [tilespmem:v14+s3+$0x0], $0xffff;
	v18 =	vmax.f32 v18, v53  }
0x2f: {  	v20 =	vor.u32 $0x12, v1;
	v15 =	vld.idx.msk [tilespmem:v15+s3+$0x0], $0xffff;
	v18 =	vmax.f32 v18, v54  }
0x30: {  	v21 =	vor.u32 $0x13, v1;
	v16 =	vld.idx.msk [tilespmem:v16+s3+$0x0], $0xffff;
	v18 =	vmax.f32 v18, v55  }
0x31: {  	v22 =	vor.u32 $0x14, v1;
	v17 =	vld.idx.msk [tilespmem:v17+s3+$0x0], $0xffff;
	v18 =	vmax.f32 v18, v12  }
0x32: {  	v60 =	vor.u32 $0x15, v1;
	v23 =	vmax.f32 v18, v13;
	v18 =	vld.idx.msk [tilespmem:v59+s3+$0x0], $0xffff  }
0x33: {  	v24 =	vor.u32 $0x16, v1;
	v19 =	vld.idx.msk [tilespmem:v19+s3+$0x0], $0xffff;
	v23 =	vmax.f32 v23, v14  }
0x34: {  	v25 =	vor.u32 $0x17, v1;
	v20 =	vld.idx.msk [tilespmem:v20+s3+$0x0], $0xffff;
	v23 =	vmax.f32 v23, v15  }
0x35: {  	v26 =	vor.u32 $0x18, v1;
	v21 =	vld.idx.msk [tilespmem:v21+s3+$0x0], $0xffff;
	v23 =	vmax.f32 v23, v16  }
0x36: {  	v27 =	vor.u32 $0x19, v1;
	v22 =	vld.idx.msk [tilespmem:v22+s3+$0x0], $0xffff;
	v23 =	vmax.f32 v23, v17  }
0x37: {  	v61 =	vor.u32 $0x1A, v1;
	v28 =	vmax.f32 v23, v18;
	v23 =	vld.idx.msk [tilespmem:v60+s3+$0x0], $0xffff  }
0x38: {  	v29 =	vor.u32 $0x1B, v1;
	v24 =	vld.idx.msk [tilespmem:v24+s3+$0x0], $0xffff;
	v28 =	vmax.f32 v28, v19  }
0x39: {  	v30 =	vor.u32 $0x1C, v1;
	v25 =	vld.idx.msk [tilespmem:v25+s3+$0x0], $0xffff;
	v28 =	vmax.f32 v28, v20  }
0x3a: {  	v31 =	vor.u32 $0x1D, v1;
	v26 =	vld.idx.msk [tilespmem:v26+s3+$0x0], $0xffff;
	v28 =	vmax.f32 v28, v21  }
0x3b: {  	v32 =	vor.u32 $0x1E, v1;
	v27 =	vld.idx.msk [tilespmem:v27+s3+$0x0], $0xffff;
	v28 =	vmax.f32 v28, v22  }
0x3c: {  	v62 =	vor.u32 $0x1F, v1;
	v33 =	vmax.f32 v28, v23;
	v28 =	vld.idx.msk [tilespmem:v61+s3+$0x0], $0xffff  }
0x3d: {  	v34 =	vor.u32 $0x20, v1;
	v29 =	vld.idx.msk [tilespmem:v29+s3+$0x0], $0xffff;
	v33 =	vmax.f32 v33, v24  }
0x3e: {  	v35 =	vor.u32 $0x21, v1;
	v30 =	vld.idx.msk [tilespmem:v30+s3+$0x0], $0xffff;
	v33 =	vmax.f32 v33, v25  }
0x3f: {  	v36 =	vor.u32 $0x22, v1;
	v31 =	vld.idx.msk [tilespmem:v31+s3+$0x0], $0xffff;
	v33 =	vmax.f32 v33, v26  }
0x40: {  	v37 =	vor.u32 $0x23, v1;
	v32 =	vld.idx.msk [tilespmem:v32+s3+$0x0], $0xffff;
	v33 =	vmax.f32 v33, v27  }
0x41: {  	v63 =	vor.u32 $0x24, v1;
	v38 =	vmax.f32 v33, v28;
	v33 =	vld.idx.msk [tilespmem:v62+s3+$0x0], $0xffff  }
0x42: {  	v39 =	vor.u32 $0x25, v1;
	v34 =	vld.idx.msk [tilespmem:v34+s3+$0x0], $0xffff;
	v38 =	vmax.f32 v38, v29  }
0x43: {  	v40 =	vor.u32 $0x26, v1;
	v35 =	vld.idx.msk [tilespmem:v35+s3+$0x0], $0xffff;
	v38 =	vmax.f32 v38, v30  }
0x44: {  	v41 =	vor.u32 $0x27, v1;
	v36 =	vld.idx.msk [tilespmem:v36+s3+$0x0], $0xffff;
	v38 =	vmax.f32 v38, v31  }
0x45: {  	v42 =	vor.u32 $0x28, v1;
	v37 =	vld.idx.msk [tilespmem:v37+s3+$0x0], $0xffff;
	v38 =	vmax.f32 v38, v32  }
0x46: {  	v4 =	vor.u32 $0x29, v1;
	v43 =	vmax.f32 v38, v33;
	v38 =	vld.idx.msk [tilespmem:v63+s3+$0x0], $0xffff  }
0x47: {  	v44 =	vor.u32 $0x2A, v1;
	v39 =	vld.idx.msk [tilespmem:v39+s3+$0x0], $0xffff;
	v43 =	vmax.f32 v43, v34  }
0x48: {  	v45 =	vor.u32 $0x2B, v1;
	v40 =	vld.idx.msk [tilespmem:v40+s3+$0x0], $0xffff;
	v43 =	vmax.f32 v43, v35  }
0x49: {  	v5 =	vor.u32 $0x2C, v1;
	v63 =	vld.idx.msk [tilespmem:v41+s3+$0x0], $0xffff;
	v43 =	vmax.f32 v43, v36  }
0x4a: {  	v6 =	vor.u32 $0x2D, v1;
	v62 =	vld.idx.msk [tilespmem:v42+s3+$0x0], $0xffff;
	v43 =	vmax.f32 v43, v37  }
0x4b: {  	v7 =	vor.u32 $0x2E, v1;
	v61 =	vld.idx.msk [tilespmem:v4+s3+$0x0], $0xffff;
	v43 =	vmax.f32 v43, v38  }
0x4c: {  	v8 =	vor.u32 $0x2F, v1;
	v60 =	vld.idx.msk [tilespmem:v44+s3+$0x0], $0xffff;
	v43 =	vmax.f32 v43, v39  }
0x4d: {  	v9 =	vor.u32 $0x30, v1;
	v59 =	vld.idx.msk [tilespmem:v45+s3+$0x0], $0xffff;
	v43 =	vmax.f32 v43, v40  }
0x4e: {  	v10 =	vor.u32 $0x31, v1;
	v57 =	vld.idx.msk [tilespmem:v5+s3+$0x0], $0xffff;
	v43 =	vmax.f32 v43, v63  }
0x4f: {  	v58 =	vld.idx.msk [tilespmem:v6+s3+$0x0], $0xffff;
	v42 =	vor.u32 $0x32, v1;
	v43 =	vmax.f32 v43, v62  }
0x50: {  	v2 =	vor.u32 $0x33, v1;
	v56 =	vld.idx.msk [tilespmem:v7+s3+$0x0], $0xffff;
	v43 =	vmax.f32 v43, v61  }
0x51: {  	v11 =	vor.u32 $0x34, v1;
	v5 =	vld.idx.msk [tilespmem:v8+s3+$0x0], $0xffff;
	v43 =	vmax.f32 v43, v60  }
0x52: {  	v6 =	vld.idx.msk [tilespmem:v9+s3+$0x0], $0xffff;
	v9 =	vor.u32 $0x35, v1;
	v43 =	vmax.f32 v43, v59  }
0x53: {  	v3 =	vld.idx.msk [tilespmem:v10+s3+$0x0], $0xffff;
	v10 =	vor.u32 $0x36, v1;
	v43 =	vmax.f32 v43, v57  }
0x54: {  	v4 =	vld.idx.msk [tilespmem:v42+s3+$0x0], $0xffff;
	v42 =	vor.u32 $0x37, v1;
	v43 =	vmax.f32 v43, v58  }
0x55: {  	v0 =	vld.idx.msk [tilespmem:v2+s3+$0x0], $0xffff;
	v2 =	vor.u32 $0x38, v1;
	v43 =	vmax.f32 v43, v56  }
0x56: {  	v7 =	vld.idx.msk [tilespmem:v11+s3+$0x0], $0xffff;
	v11 =	vor.u32 $0x39, v1;
	v43 =	vmax.f32 v43, v5  }
0x57: {  	v45 =	vld.idx.msk [tilespmem:v9+s3+$0x0], $0xffff;
	v9 =	vor.u32 $0x3A, v1;
	v43 =	vmax.f32 v43, v6  }
0x58: {  	[tilespmem:$0x1FD20] =	vst v6;
	v41 =	vld.idx.msk [tilespmem:v10+s3+$0x0], $0xffff;
	v10 =	vor.u32 $0x3B, v1;
	v43 =	vmax.f32 v43, v3  }
0x59: {  	[tilespmem:$0x1FD40] =	vst v4;
	v6 =	vld.idx.msk [tilespmem:v42+s3+$0x0], $0xffff;
	v43 =	vmax.f32 v43, v4;
	v4 =	vor.u32 $0x3C, v1  }
0x5a: {  	[tilespmem:$0x1FD10] =	vst v5;
	v42 =	vld.idx.msk [tilespmem:v2+s3+$0x0], $0xffff;
	v2 =	vor.u32 $0x3D, v1;
	v43 =	vmax.f32 v43, v0  }
0x5b: {  	[tilespmem:$0x1FD50] =	vst v0;
	v44 =	vor.u32 $0x3E, v1;
	v0 =	vmax.f32 v43, v7;
	v43 =	vld.idx.msk [tilespmem:v11+s3+$0x0], $0xffff  }
0x5c: {  	[tilespmem:$0x1FD60] =	vst v7;
	v5 =	vor.u32 $0x3F, v1;
	v7 =	vld.idx.msk [tilespmem:v9+s3+$0x0], $0xffff;
	v0 =	vmax.f32 v0, v45  }
0x5d: {  	[tilespmem:$0x1FD30] =	vst v3;
	v8 =	vld.idx.msk [tilespmem:v10+s3+$0x0], $0xffff;
	v3 =	vor.u32 $0x40, v1;
	v0 =	vmax.f32 v0, v41  }
0x5e: {  	[tilespmem:$0x1FD70] =	vst v6;
	v0 =	vmax.f32 v0, v6;
	v6 =	vld.idx.msk [tilespmem:v4+s3+$0x0], $0xffff;
	v4 =	vor.u32 $0x41, v1  }
0x5f: {  	v9 =	vld.idx.msk [tilespmem:v2+s3+$0x0], $0xffff;
	v2 =	vor.u32 $0x42, v1;
	v0 =	vmax.f32 v0, v42  }
0x60: {  	v10 =	vld.idx.msk [tilespmem:v44+s3+$0x0], $0xffff;
	v44 =	vor.u32 $0x43, v1;
	v0 =	vmax.f32 v0, v43  }
0x61: {  	[tilespmem:$0x1FD80] =	vst v7;
	v0 =	vmax.f32 v0, v7;
	v7 =	vld.idx.msk [tilespmem:v5+s3+$0x0], $0xffff;
	v5 =	vor.u32 $0x44, v1  }
0x62: {  	[tilespmem:$0x1FD90] =	vst v8;
	v0 =	vmax.f32 v0, v8;
	v8 =	vld.idx.msk [tilespmem:v3+s3+$0x0], $0xffff;
	v3 =	vor.u32 $0x45, v1  }
0x63: {  	[tilespmem:$0x1FDA0] =	vst v6;
	v0 =	vmax.f32 v0, v6;
	v6 =	vld.idx.msk [tilespmem:v4+s3+$0x0], $0xffff;
	v4 =	vor.u32 $0x46, v1  }
0x64: {  	[tilespmem:$0x1FDB0] =	vst v9;
	v0 =	vmax.f32 v0, v9;
	v9 =	vld.idx.msk [tilespmem:v2+s3+$0x0], $0xffff;
	v2 =	vor.u32 $0x47, v1  }
0x65: {  	[tilespmem:$0x1FDC0] =	vst v10;
	v0 =	vmax.f32 v0, v10;
	v10 =	vld.idx.msk [tilespmem:v44+s3+$0x0], $0xffff;
	v44 =	vor.u32 $0x48, v1  }
0x66: {  	[tilespmem:$0x1FDD0] =	vst v7;
	v0 =	vmax.f32 v0, v7;
	v7 =	vld.idx.msk [tilespmem:v5+s3+$0x0], $0xffff;
	v5 =	vor.u32 $0x49, v1  }
0x67: {  	[tilespmem:$0x1FDE0] =	vst v8;
	v0 =	vmax.f32 v0, v8;
	v8 =	vld.idx.msk [tilespmem:v3+s3+$0x0], $0xffff;
	v3 =	vor.u32 $0x4A, v1  }
0x68: {  	[tilespmem:$0x1FDF0] =	vst v6;
	v0 =	vmax.f32 v0, v6;
	v6 =	vld.idx.msk [tilespmem:v4+s3+$0x0], $0xffff;
	v4 =	vor.u32 $0x4B, v1  }
0x69: {  	[tilespmem:$0x1FE00] =	vst v9;
	v0 =	vmax.f32 v0, v9;
	v9 =	vld.idx.msk [tilespmem:v2+s3+$0x0], $0xffff;
	v2 =	vor.u32 $0x4C, v1  }
0x6a: {  	[tilespmem:$0x1FE10] =	vst v10;
	v0 =	vmax.f32 v0, v10;
	v11 =	vld.idx.msk [tilespmem:v44+s3+$0x0], $0xffff;
	v44 =	vor.u32 $0x4D, v1  }
0x6b: {  	[tilespmem:$0x1FE20] =	vst v7;
	v0 =	vmax.f32 v0, v7;
	v7 =	vld.idx.msk [tilespmem:v5+s3+$0x0], $0xffff;
	v5 =	vor.u32 $0x4E, v1  }
0x6c: {  	[tilespmem:$0x1FE30] =	vst v8;
	v0 =	vmax.f32 v0, v8;
	v8 =	vld.idx.msk [tilespmem:v3+s3+$0x0], $0xffff;
	v3 =	vor.u32 $0x4F, v1  }
0x6d: {  	[tilespmem:$0x1FE40] =	vst v6;
	v0 =	vmax.f32 v0, v6;
	v6 =	vld.idx.msk [tilespmem:v4+s3+$0x0], $0xffff;
	v4 =	vor.u32 $0x50, v1  }
0x6e: {  	[tilespmem:$0x1FE50] =	vst v9;
	v0 =	vmax.f32 v0, v9;
	v10 =	vld.idx.msk [tilespmem:v2+s3+$0x0], $0xffff;
	v2 =	vor.u32 $0x51, v1  }
0x6f: {  	[tilespmem:$0x1FE60] =	vst v11;
	v0 =	vmax.f32 v0, v11;
	v11 =	vld.idx.msk [tilespmem:v44+s3+$0x0], $0xffff;
	v44 =	vor.u32 $0x52, v1  }
0x70: {  	[tilespmem:$0x1FE70] =	vst v7;
	v0 =	vmax.f32 v0, v7;
	v7 =	vld.idx.msk [tilespmem:v5+s3+$0x0], $0xffff;
	v5 =	vor.u32 $0x53, v1  }
0x71: {  	v9 =	vor.u32 $0x54, v1;
	[tilespmem:$0x1FE80] =	vst v8;
	v0 =	vmax.f32 v0, v8;
	v8 =	vld.idx.msk [tilespmem:v3+s3+$0x0], $0xffff  }
0x72: {  	[tilespmem:$0x1FE90] =	vst v6;
	v0 =	vmax.f32 v0, v6;
	v6 =	vld.idx.msk [tilespmem:v4+s3+$0x0], $0xffff;
	v4 =	vor.u32 $0x55, v1  }
0x73: {  	[tilespmem:$0x1FEA0] =	vst v10;
	v0 =	vmax.f32 v0, v10;
	v3 =	vld.idx.msk [tilespmem:v2+s3+$0x0], $0xffff;
	v10 =	vor.u32 $0x56, v1  }
0x74: {  	[tilespmem:$0x1FEB0] =	vst v11;
	v0 =	vmax.f32 v0, v11;
	v2 =	vld.idx.msk [tilespmem:v44+s3+$0x0], $0xffff;
	v44 =	vor.u32 $0x57, v1  }
0x75: {  	[tilespmem:$0x1FEC0] =	vst v7;
	v0 =	vmax.f32 v0, v7;
	v11 =	vld.idx.msk [tilespmem:v5+s3+$0x0], $0xffff;
	v7 =	vor.u32 $0x58, v1  }
0x76: {  	v5 =	vld.idx.msk [tilespmem:v9+s3+$0x0], $0xffff;
	v9 =	vor.u32 $0x59, v1;
	[tilespmem:$0x1FED0] =	vst v8;
	v0 =	vmax.f32 v0, v8  }
0x77: {  	v8 =	vor.u32 $0x5A, v1;
	[tilespmem:$0x1FEE0] =	vst v6;
	v0 =	vmax.f32 v0, v6;
	v6 =	vld.idx.msk [tilespmem:v4+s3+$0x0], $0xffff  }
0x78: {  	[tilespmem:$0x1FEF0] =	vst v3;
	v0 =	vmax.f32 v0, v3;
	v3 =	vld.idx.msk [tilespmem:v10+s3+$0x0], $0xffff;
	v10 =	vor.u32 $0x5B, v1  }
0x79: {  	[tilespmem:$0x1FF00] =	vst v2;
	v0 =	vmax.f32 v0, v2;
	v4 =	vld.idx.msk [tilespmem:v44+s3+$0x0], $0xffff;
	v44 =	vor.u32 $0x5C, v1  }
0x7a: {  	[tilespmem:$0x1FF10] =	vst v11;
	v0 =	vmax.f32 v0, v11;
	v2 =	vld.idx.msk [tilespmem:v7+s3+$0x0], $0xffff;
	v11 =	vor.u32 $0x5D, v1  }
0x7b: {  	[tilespmem:$0x1FF20] =	vst v5;
	v7 =	vmax.f32 v0, v5;
	v0 =	vld.idx.msk [tilespmem:v9+s3+$0x0], $0xffff;
	v9 =	vor.u32 $0x5E, v1  }
0x7c: {  	[tilespmem:$0x1FF30] =	vst v6;
	v5 =	vmax.f32 v7, v6;
	v6 =	vld.idx.msk [tilespmem:v8+s3+$0x0], $0xffff;
	v8 =	vor.u32 $0x5F, v1  }
0x7d: {  	[tilespmem:$0x1FF40] =	vst v3;
	v5 =	vmax.f32 v5, v3;
	v3 =	vld.idx.msk [tilespmem:v10+s3+$0x0], $0xffff;
	v10 =	vor.u32 $0x60, v1  }
0x7e: {  	[tilespmem:$0x1FF50] =	vst v4;
	v5 =	vmax.f32 v5, v4;
	v4 =	vld.idx.msk [tilespmem:v44+s3+$0x0], $0xffff;
	v44 =	vor.u32 $0x61, v1  }
0x7f: {  	v7 =	vor.u32 $0x62, v1;
	[tilespmem:$0x1FF60] =	vst v2;
	v5 =	vmax.f32 v5, v2;
	v2 =	vld.idx.msk [tilespmem:v11+s3+$0x0], $0xffff  }
0x80: {  	[tilespmem:$0x1FF70] =	vst v0;
	v5 =	vmax.f32 v5, v0;
	v0 =	vld.idx.msk [tilespmem:v9+s3+$0x0], $0xffff;
	v9 =	vor.u32 $0x63, v1  }
0x81: {  	[tilespmem:$0x1FF80] =	vst v6;
	v5 =	vmax.f32 v5, v6;
	v6 =	vld.idx.msk [tilespmem:v8+s3+$0x0], $0xffff  }
0x82: {  	[tilespmem:$0x1FF90] =	vst v3;
	v8 =	vmax.f32 v5, v3;
	v3 =	vld.idx.msk [tilespmem:v10+s3+$0x0], $0xffff  }
0x83: {  	[tilespmem:$0x1FFA0] =	vst v4;
	v8 =	vmax.f32 v8, v4;
	v4 =	vld.idx.msk [tilespmem:v44+s3+$0x0], $0xffff  }
0x84: {  	[tilespmem:$0x1FFB0] =	vst v2;
	v11 =	vmax.f32 v8, v2;
	v2 =	vld.idx.msk [tilespmem:v7+s3+$0x0], $0xffff  }
0x85: {  	v7 =	vmax.f32 v11, v0;
	v44 =	vld.idx.msk [tilespmem:v9+s3+$0x0], $0xffff  }
0x86: {  	v5 =	vmax.f32 v7, v6  }
0x87: {  	v10 =	vmov v0;
	v0 =	vmax.f32 v5, v3  }
0x88: {  	v0 =	vmax.f32 v0, v4  }
0x89: {  	v0 =	vmax.f32 v0, v2  }
0x8a: {  	[tilespmem:$0x1FFE0] =	vst v2;
	v2 =	vmax.f32 v0, v44  }
0x8b: {  	v0 =	vsub.f32 v47, v2;
	_ =	sdelay $0x1  }
0x8c: {  	v46 =	vsub.f32 v46, v2;
	v0 =	vmul.f32 $3.000000000e+01, v0  }
0x8d: {  	v47 =	vsub.f32 v48, v2  }
0x8e: {  	[tilespmem:$0x1FFC0] =	vst v3;
	v3 =	vmul.f32 $3.000000000e+01, v46;
	v0 =	vmul.f32 $1.442695020e+00, v0  }
0x8f: {  	v11 =	vsub.f32 v49, v2;
	v9 =	vmul.f32 $3.000000000e+01, v47  }
0x90: {  	v48 =	vmul.f32 $1.442695020e+00, v3;
	(erf) = vpow2.f32 v0  }
0x91: {  	v47 =	vmul.f32 $3.000000000e+01, v11  }
0x92: {  	v46 =	vmul.f32 $1.442695020e+00, v9;
	(erf) = vpow2.f32 v48;
	v48 =	vsub.f32 v51, v2  }
0x93: {  	v49 =	vsub.f32 v50, v2;
	v3 =	vmul.f32 $1.442695020e+00, v47  }
0x94: {  	[tilespmem:$0x1FFD0] =	vst v4;
	(erf) = vpow2.f32 v46;
	v4 =	vmul.f32 $3.000000000e+01, v48  }
0x95: {  	v0 =	vmul.f32 $3.000000000e+01, v49  }
0x96: {  	v51 =	vsub.f32 v52, v2;
	(erf) = vpow2.f32 v3;
	v50 =	vmul.f32 $1.442695020e+00, v4  }
0x97: {  	v9 =	vsub.f32 v53, v2;
	v0 =	vmul.f32 $1.442695020e+00, v0  }
0x98: {  	v52 =	vmul.f32 $3.000000000e+01, v51;
	(erf) = vpow2.f32 v50  }
0x99: {  	v47 =	vsub.f32 v54, v2;
	v4 =	vmul.f32 $3.000000000e+01, v9;
	v11 =	vpop (erf)  }
0x9a: {  	v3 =	vmul.f32 $1.442695020e+00, v52;
	(erf) = vpow2.f32 v0;
	v46 =	vadd.f32 $0.0e+00, v11  }
0x9b: {  	v5 =	vmul.f32 $3.000000000e+01, v47;
	v49 =	vmul.f32 $1.442695020e+00, v4;
	v48 =	vpop (erf)  }
0x9c: {  	v50 =	vsub.f32 v55, v2;
	(erf) = vpow2.f32 v3;
	v0 =	vadd.f32 v46, v48  }
0x9d: {  	v53 =	vsub.f32 v12, v2;
	v5 =	vmul.f32 $1.442695020e+00, v5;
	v51 =	vpop (erf)  }
0x9e: {  	v52 =	vmul.f32 $3.000000000e+01, v50;
	(erf) = vpow2.f32 v49;
	v0 =	vadd.f32 v0, v51  }
0x9f: {  	v4 =	vmul.f32 $3.000000000e+01, v53;
	v55 =	vsub.f32 v13, v2;
	v54 =	vpop (erf)  }
0xa0: {  	v3 =	vmul.f32 $1.442695020e+00, v52;
	(erf) = vpow2.f32 v5;
	v0 =	vadd.f32 v0, v54  }
0xa1: {  	v13 =	vsub.f32 v14, v2;
	v12 =	vmul.f32 $3.000000000e+01, v55;
	v9 =	vpop (erf)  }
0xa2: {  	v11 =	vmul.f32 $1.442695020e+00, v4;
	(erf) = vpow2.f32 v3;
	v0 =	vadd.f32 v0, v9  }
0xa3: {  	v4 =	vmul.f32 $1.442695020e+00, v12;
	v46 =	vsub.f32 v15, v2;
	v14 =	vpop (erf)  }
0xa4: {  	v5 =	vmul.f32 $3.000000000e+01, v13;
	(erf) = vpow2.f32 v11;
	v0 =	vadd.f32 v0, v14  }
0xa5: {  	v49 =	vsub.f32 v16, v2;
	v3 =	vmul.f32 $3.000000000e+01, v46;
	v47 =	vpop (erf)  }
0xa6: {  	v48 =	vmul.f32 $1.442695020e+00, v5;
	(erf) = vpow2.f32 v4;
	v0 =	vadd.f32 v0, v47  }
0xa7: {  	v52 =	vsub.f32 v17, v2;
	v51 =	vmul.f32 $3.000000000e+01, v49;
	v50 =	vpop (erf)  }
0xa8: {  	v3 =	vmul.f32 $1.442695020e+00, v3;
	(erf) = vpow2.f32 v48;
	v0 =	vadd.f32 v0, v50  }
0xa9: {  	v5 =	vmul.f32 $3.000000000e+01, v52;
	v54 =	vsub.f32 v18, v2;
	v53 =	vpop (erf)  }
0xaa: {  	v4 =	vmul.f32 $1.442695020e+00, v51;
	(erf) = vpow2.f32 v3;
	v0 =	vadd.f32 v0, v53  }
0xab: {  	v9 =	vmul.f32 $1.442695020e+00, v5;
	v11 =	vsub.f32 v19, v2;
	v55 =	vpop (erf)  }
0xac: {  	v3 =	vmul.f32 $3.000000000e+01, v54;
	(erf) = vpow2.f32 v4;
	v0 =	vadd.f32 v0, v55  }
0xad: {  	v13 =	vmul.f32 $3.000000000e+01, v11;
	v14 =	vsub.f32 v20, v2;
	v12 =	vpop (erf)  }
0xae: {  	v3 =	vmul.f32 $1.442695020e+00, v3;
	(erf) = vpow2.f32 v9;
	v0 =	vadd.f32 v0, v12  }
0xaf: {  	v18 =	vsub.f32 v21, v2;
	v16 =	vmul.f32 $1.442695020e+00, v13;
	v15 =	vpop (erf)  }
0xb0: {  	v17 =	vmul.f32 $3.000000000e+01, v14;
	(erf) = vpow2.f32 v3;
	v0 =	vadd.f32 v0, v15  }
0xb1: {  	v22 =	vsub.f32 v22, v2;
	v21 =	vmul.f32 $3.000000000e+01, v18;
	v19 =	vpop (erf)  }
0xb2: {  	v20 =	vmul.f32 $1.442695020e+00, v17;
	(erf) = vpow2.f32 v16;
	v0 =	vadd.f32 v0, v19  }
0xb3: {  	v5 =	vmul.f32 $3.000000000e+01, v22;
	v47 =	vsub.f32 v23, v2;
	v46 =	vpop (erf)  }
0xb4: {  	v4 =	vmul.f32 $1.442695020e+00, v21;
	(erf) = vpow2.f32 v20;
	v0 =	vadd.f32 v0, v46  }
0xb5: {  	v49 =	vmul.f32 $1.442695020e+00, v5;
	v50 =	vsub.f32 v24, v2;
	v48 =	vpop (erf)  }
0xb6: {  	v3 =	vmul.f32 $3.000000000e+01, v47;
	(erf) = vpow2.f32 v4;
	v0 =	vadd.f32 v0, v48  }
0xb7: {  	v52 =	vmul.f32 $3.000000000e+01, v50;
	v53 =	vsub.f32 v25, v2;
	v51 =	vpop (erf)  }
0xb8: {  	v3 =	vmul.f32 $1.442695020e+00, v3;
	(erf) = vpow2.f32 v49;
	v0 =	vadd.f32 v0, v51  }
0xb9: {  	v55 =	vsub.f32 v26, v2;
	v5 =	vmul.f32 $3.000000000e+01, v53;
	v54 =	vpop (erf)  }
0xba: {  	v4 =	vmul.f32 $1.442695020e+00, v52;
	(erf) = vpow2.f32 v3;
	v0 =	vadd.f32 v0, v54  }
0xbb: {  	v11 =	vmul.f32 $1.442695020e+00, v5;
	v12 =	vsub.f32 v27, v2;
	v9 =	vpop (erf)  }
0xbc: {  	v3 =	vmul.f32 $3.000000000e+01, v55;
	(erf) = vpow2.f32 v4;
	v0 =	vadd.f32 v0, v9  }
0xbd: {  	v14 =	vmul.f32 $3.000000000e+01, v12;
	v15 =	vsub.f32 v28, v2;
	v13 =	vpop (erf)  }
0xbe: {  	v3 =	vmul.f32 $1.442695020e+00, v3;
	(erf) = vpow2.f32 v11;
	v0 =	vadd.f32 v0, v13  }
0xbf: {  	v17 =	vmul.f32 $1.442695020e+00, v14;
	v18 =	vmul.f32 $3.000000000e+01, v15;
	v16 =	vpop (erf)  }
0xc0: {  	v19 =	vsub.f32 v29, v2;
	(erf) = vpow2.f32 v3;
	v0 =	vadd.f32 v0, v16  }
0xc1: {  	v23 =	vsub.f32 v30, v2;
	v21 =	vmul.f32 $1.442695020e+00, v18;
	v20 =	vpop (erf)  }
0xc2: {  	v22 =	vmul.f32 $3.000000000e+01, v19;
	(erf) = vpow2.f32 v17;
	v0 =	vadd.f32 v0, v20  }
0xc3: {  	v25 =	vsub.f32 v31, v2;
	v5 =	vmul.f32 $3.000000000e+01, v23;
	v24 =	vpop (erf)  }
0xc4: {  	v4 =	vmul.f32 $1.442695020e+00, v22;
	(erf) = vpow2.f32 v21;
	v0 =	vadd.f32 v0, v24  }
0xc5: {  	v27 =	vmul.f32 $1.442695020e+00, v5;
	v28 =	vsub.f32 v32, v2;
	v26 =	vpop (erf)  }
0xc6: {  	v3 =	vmul.f32 $3.000000000e+01, v25;
	(erf) = vpow2.f32 v4;
	v0 =	vadd.f32 v0, v26  }
0xc7: {  	v31 =	vsub.f32 v33, v2;
	v30 =	vmul.f32 $3.000000000e+01, v28;
	v29 =	vpop (erf)  }
0xc8: {  	v3 =	vmul.f32 $1.442695020e+00, v3;
	(erf) = vpow2.f32 v27;
	v0 =	vadd.f32 v0, v29  }
0xc9: {  	v33 =	vsub.f32 v34, v2;
	v5 =	vmul.f32 $3.000000000e+01, v31;
	v32 =	vpop (erf)  }
0xca: {  	v4 =	vmul.f32 $1.442695020e+00, v30;
	(erf) = vpow2.f32 v3;
	v0 =	vadd.f32 v0, v32  }
0xcb: {  	v47 =	vsub.f32 v35, v2;
	v46 =	vmul.f32 $1.442695020e+00, v5;
	v34 =	vpop (erf)  }
0xcc: {  	v3 =	vmul.f32 $3.000000000e+01, v33;
	(erf) = vpow2.f32 v4;
	v0 =	vadd.f32 v0, v34  }
0xcd: {  	v50 =	vsub.f32 v36, v2;
	v49 =	vmul.f32 $3.000000000e+01, v47;
	v48 =	vpop (erf)  }
0xce: {  	v3 =	vmul.f32 $1.442695020e+00, v3;
	(erf) = vpow2.f32 v46;
	v0 =	vadd.f32 v0, v48  }
0xcf: {  	v53 =	vmul.f32 $3.000000000e+01, v50;
	v52 =	vmul.f32 $1.442695020e+00, v49;
	v51 =	vpop (erf)  }
0xd0: {  	v54 =	vsub.f32 v37, v2;
	(erf) = vpow2.f32 v3;
	v0 =	vadd.f32 v0, v51  }
0xd1: {  	v12 =	vsub.f32 v38, v2;
	v9 =	vmul.f32 $1.442695020e+00, v53;
	v55 =	vpop (erf)  }
0xd2: {  	v11 =	vmul.f32 $3.000000000e+01, v54;
	(erf) = vpow2.f32 v52;
	v0 =	vadd.f32 v0, v55  }
0xd3: {  	v14 =	vsub.f32 v39, v2;
	v5 =	vmul.f32 $3.000000000e+01, v12;
	v13 =	vpop (erf)  }
0xd4: {  	v4 =	vmul.f32 $1.442695020e+00, v11;
	(erf) = vpow2.f32 v9;
	v0 =	vadd.f32 v0, v13  }
0xd5: {  	v17 =	vsub.f32 v40, v2;
	v16 =	vmul.f32 $1.442695020e+00, v5;
	v15 =	vpop (erf)  }
0xd6: {  	v3 =	vmul.f32 $3.000000000e+01, v14;
	(erf) = vpow2.f32 v4;
	v0 =	vadd.f32 v0, v15  }
0xd7: {  	v19 =	vmul.f32 $3.000000000e+01, v17;
	v20 =	vsub.f32 v63, v2;
	v18 =	vpop (erf)  }
0xd8: {  	v3 =	vmul.f32 $1.442695020e+00, v3;
	(erf) = vpow2.f32 v16;
	v0 =	vadd.f32 v0, v18  }
0xd9: {  	v22 =	vsub.f32 v62, v2;
	v5 =	vmul.f32 $3.000000000e+01, v20;
	v21 =	vpop (erf)  }
0xda: {  	v4 =	vmul.f32 $1.442695020e+00, v19;
	(erf) = vpow2.f32 v3;
	v0 =	vadd.f32 v0, v21  }
0xdb: {  	v25 =	vsub.f32 v61, v2;
	v24 =	vmul.f32 $1.442695020e+00, v5;
	v23 =	vpop (erf)  }
0xdc: {  	v3 =	vmul.f32 $3.000000000e+01, v22;
	(erf) = vpow2.f32 v4;
	v0 =	vadd.f32 v0, v23  }
0xdd: {  	v28 =	vsub.f32 v60, v2;
	v27 =	vmul.f32 $3.000000000e+01, v25;
	v26 =	vpop (erf)  }
0xde: {  	v3 =	vmul.f32 $1.442695020e+00, v3;
	(erf) = vpow2.f32 v24;
	v0 =	vadd.f32 v0, v26  }
0xdf: {  	v31 =	vmul.f32 $3.000000000e+01, v28;
	v33 =	vsub.f32 v59, v2;
	v29 =	vpop (erf)  }
0xe0: {  	v30 =	vmul.f32 $1.442695020e+00, v27;
	(erf) = vpow2.f32 v3;
	v0 =	vadd.f32 v0, v29  }
0xe1: {  	v37 =	vsub.f32 v57, v2;
	v36 =	vmul.f32 $3.000000000e+01, v33;
	v32 =	vpop (erf)  }
0xe2: {  	v50 =	vld [tilespmem:$0x1FD10];
	v34 =	vmul.f32 $1.442695020e+00, v31;
	(erf) = vpow2.f32 v30;
	v0 =	vadd.f32 v0, v32  }
0xe3: {  	v8 =	vmov v6;
	v38 =	vsub.f32 v58, v2;
	v6 =	vmul.f32 $3.000000000e+01, v37;
	v35 =	vpop (erf)  }
0xe4: {  	v5 =	vmul.f32 $1.442695020e+00, v36;
	v51 =	vld [tilespmem:$0x1FD20];
	(erf) = vpow2.f32 v34;
	v0 =	vadd.f32 v0, v35  }
0xe5: {  	v47 =	vsub.f32 v56, v2;
	v3 =	vmul.f32 $3.000000000e+01, v38;
	v39 =	vpop (erf)  }
0xe6: {  	v46 =	vmul.f32 $1.442695020e+00, v6;
	v55 =	vld [tilespmem:$0x1FD30];
	(erf) = vpow2.f32 v5;
	v0 =	vadd.f32 v0, v39  }
0xe7: {  	v6 =	vsub.f32 v50, v2;
	v3 =	vmul.f32 $1.442695020e+00, v3;
	v40 =	vpop (erf)  }
0xe8: {  	v49 =	vmul.f32 $3.000000000e+01, v47;
	(erf) = vpow2.f32 v46;
	v0 =	vadd.f32 v0, v40  }
0xe9: {  	v57 =	vld [tilespmem:$0x1FD40];
	v6 =	vmul.f32 $3.000000000e+01, v6;
	(erf) = vpow2.f32 v3;
	v3 =	vsub.f32 v51, v2;
	v48 =	vpop (erf)  }
0xea: {  	v62 =	vld [tilespmem:$0x1FD50];
	v5 =	vmul.f32 $1.442695020e+00, v49;
	v0 =	vadd.f32 v0, v48  }
0xeb: {  	v54 =	vmul.f32 $1.442695020e+00, v6;
	v6 =	vsub.f32 v55, v2;
	v3 =	vmul.f32 $3.000000000e+01, v3;
	v52 =	vpop (erf)  }
0xec: {  	v12 =	vld [tilespmem:$0x1FD60];
	(erf) = vpow2.f32 v5;
	v0 =	vadd.f32 v0, v52  }
0xed: {  	v56 =	vmul.f32 $3.000000000e+01, v6;
	v3 =	vmul.f32 $1.442695020e+00, v3;
	v53 =	vpop (erf)  }
0xee: {  	v5 =	vsub.f32 v57, v2;
	(erf) = vpow2.f32 v54;
	v0 =	vadd.f32 v0, v53  }
0xef: {  	v6 =	vsub.f32 v62, v2;
	v59 =	vmul.f32 $1.442695020e+00, v56;
	v58 =	vpop (erf)  }
0xf0: {  	(erf) = vpow2.f32 v3;
	v60 =	vmul.f32 $3.000000000e+01, v5;
	v0 =	vadd.f32 v0, v58  }
0xf1: {  	v11 =	vmul.f32 $3.000000000e+01, v6;
	v6 =	vsub.f32 v12, v2;
	v61 =	vpop (erf)  }
0xf2: {  	v20 =	vld [tilespmem:$0x1FD70];
	(erf) = vpow2.f32 v59;
	v63 =	vmul.f32 $1.442695020e+00, v60;
	v0 =	vadd.f32 v0, v61  }
0xf3: {  	v13 =	vsub.f32 v45, v2;
	v6 =	vmul.f32 $3.000000000e+01, v6;
	v9 =	vpop (erf)  }
0xf4: {  	v5 =	vmul.f32 $1.442695020e+00, v11;
	(erf) = vpow2.f32 v63;
	v0 =	vadd.f32 v0, v9  }
0xf5: {  	v17 =	vsub.f32 v41, v2;
	v16 =	vmul.f32 $1.442695020e+00, v6;
	v14 =	vpop (erf)  }
0xf6: {  	v3 =	vmul.f32 $3.000000000e+01, v13;
	(erf) = vpow2.f32 v5;
	v0 =	vadd.f32 v0, v14  }
0xf7: {  	v19 =	vmul.f32 $3.000000000e+01, v17;
	v6 =	vsub.f32 v20, v2;
	v15 =	vpop (erf)  }
0xf8: {  	v27 =	vld [tilespmem:$0x1FD80];
	v3 =	vmul.f32 $1.442695020e+00, v3;
	(erf) = vpow2.f32 v16;
	v0 =	vadd.f32 v0, v15  }
0xf9: {  	v21 =	vsub.f32 v42, v2;
	v6 =	vmul.f32 $3.000000000e+01, v6;
	v18 =	vpop (erf)  }
0xfa: {  	v32 =	vld [tilespmem:$0x1FD90];
	v5 =	vmul.f32 $1.442695020e+00, v19;
	(erf) = vpow2.f32 v3;
	v0 =	vadd.f32 v0, v18  }
0xfb: {  	v25 =	vsub.f32 v43, v2;
	v24 =	vmul.f32 $1.442695020e+00, v6;
	v22 =	vpop (erf)  }
0xfc: {  	v36 =	vld [tilespmem:$0x1FDA0];
	v3 =	vmul.f32 $3.000000000e+01, v21;
	(erf) = vpow2.f32 v5;
	v0 =	vadd.f32 v0, v22  }
0xfd: {  	v26 =	vmul.f32 $3.000000000e+01, v25;
	v5 =	vsub.f32 v27, v2;
	v23 =	vpop (erf)  }
0xfe: {  	v3 =	vmul.f32 $1.442695020e+00, v3;
	(erf) = vpow2.f32 v24;
	v0 =	vadd.f32 v0, v23  }
0xff: {  	v37 =	vld [tilespmem:$0x1FDB0];
	v29 =	vmul.f32 $1.442695020e+00, v26;
	v6 =	vsub.f32 v32, v2;
	v28 =	vpop (erf)  }
0x100: {  	v41 =	vld [tilespmem:$0x1FDC0];
	v30 =	vmul.f32 $3.000000000e+01, v5;
	(erf) = vpow2.f32 v3;
	v0 =	vadd.f32 v0, v28  }
0x101: {  	v35 =	vmul.f32 $3.000000000e+01, v6;
	v6 =	vsub.f32 v36, v2;
	v31 =	vpop (erf)  }
0x102: {  	v45 =	vld [tilespmem:$0x1FDD0];
	v33 =	vmul.f32 $1.442695020e+00, v30;
	(erf) = vpow2.f32 v29;
	v0 =	vadd.f32 v0, v31  }
0x103: {  	v6 =	vmul.f32 $3.000000000e+01, v6;
	v5 =	vmul.f32 $1.442695020e+00, v35;
	v34 =	vpop (erf)  }
0x104: {  	v3 =	vsub.f32 v37, v2;
	(erf) = vpow2.f32 v33;
	v0 =	vadd.f32 v0, v34  }
0x105: {  	v46 =	vld [tilespmem:$0x1FDE0];
	v40 =	vmul.f32 $1.442695020e+00, v6;
	v6 =	vsub.f32 v41, v2;
	v38 =	vpop (erf)  }
0x106: {  	v50 =	vld [tilespmem:$0x1FDF0];
	v3 =	vmul.f32 $3.000000000e+01, v3;
	(erf) = vpow2.f32 v5;
	v0 =	vadd.f32 v0, v38  }
0x107: {  	v43 =	vmul.f32 $3.000000000e+01, v6;
	v6 =	vsub.f32 v45, v2;
	v39 =	vpop (erf)  }
0x108: {  	v52 =	vld [tilespmem:$0x1FE00];
	v3 =	vmul.f32 $1.442695020e+00, v3;
	(erf) = vpow2.f32 v40;
	v0 =	vadd.f32 v0, v39  }
0x109: {  	v6 =	vmul.f32 $3.000000000e+01, v6;
	v5 =	vmul.f32 $1.442695020e+00, v43;
	v42 =	vpop (erf)  }
0x10a: {  	v57 =	vld [tilespmem:$0x1FE10];
	(erf) = vpow2.f32 v3;
	v3 =	vsub.f32 v46, v2;
	v0 =	vadd.f32 v0, v42  }
0x10b: {  	v49 =	vmul.f32 $1.442695020e+00, v6;
	v6 =	vsub.f32 v50, v2;
	v47 =	vpop (erf)  }
0x10c: {  	v61 =	vld [tilespmem:$0x1FE20];
	v3 =	vmul.f32 $3.000000000e+01, v3;
	(erf) = vpow2.f32 v5;
	v0 =	vadd.f32 v0, v47  }
0x10d: {  	v51 =	vmul.f32 $3.000000000e+01, v6;
	v5 =	vsub.f32 v52, v2;
	v48 =	vpop (erf)  }
0x10e: {  	(erf) = vpow2.f32 v49;
	v3 =	vmul.f32 $1.442695020e+00, v3;
	v0 =	vadd.f32 v0, v48  }
0x10f: {  	v62 =	vld [tilespmem:$0x1FE30];
	v6 =	vsub.f32 v57, v2;
	v54 =	vmul.f32 $1.442695020e+00, v51;
	v53 =	vpop (erf)  }
0x110: {  	v12 =	vld [tilespmem:$0x1FE40];
	v55 =	vmul.f32 $3.000000000e+01, v5;
	(erf) = vpow2.f32 v3;
	v0 =	vadd.f32 v0, v53  }
0x111: {  	v60 =	vmul.f32 $3.000000000e+01, v6;
	v6 =	vsub.f32 v61, v2;
	v56 =	vpop (erf)  }
0x112: {  	v15 =	vld [tilespmem:$0x1FE50];
	v58 =	vmul.f32 $1.442695020e+00, v55;
	(erf) = vpow2.f32 v54;
	v0 =	vadd.f32 v0, v56  }
0x113: {  	v6 =	vmul.f32 $3.000000000e+01, v6;
	v5 =	vmul.f32 $1.442695020e+00, v60;
	v59 =	vpop (erf)  }
0x114: {  	v3 =	vsub.f32 v62, v2;
	(erf) = vpow2.f32 v58;
	v0 =	vadd.f32 v0, v59  }
0x115: {  	v16 =	vld [tilespmem:$0x1FE60];
	v11 =	vmul.f32 $1.442695020e+00, v6;
	v6 =	vsub.f32 v12, v2;
	v63 =	vpop (erf)  }
0x116: {  	v20 =	vld [tilespmem:$0x1FE70];
	v3 =	vmul.f32 $3.000000000e+01, v3;
	(erf) = vpow2.f32 v5;
	v0 =	vadd.f32 v0, v63  }
0x117: {  	v14 =	vmul.f32 $3.000000000e+01, v6;
	v6 =	vsub.f32 v15, v2;
	v9 =	vpop (erf)  }
0x118: {  	v22 =	vld [tilespmem:$0x1FE80];
	v3 =	vmul.f32 $1.442695020e+00, v3;
	(erf) = vpow2.f32 v11;
	v0 =	vadd.f32 v0, v9  }
0x119: {  	v6 =	vmul.f32 $3.000000000e+01, v6;
	v5 =	vmul.f32 $1.442695020e+00, v14;
	v13 =	vpop (erf)  }
0x11a: {  	v27 =	vld [tilespmem:$0x1FE90];
	(erf) = vpow2.f32 v3;
	v3 =	vsub.f32 v16, v2;
	v0 =	vadd.f32 v0, v13  }
0x11b: {  	v19 =	vmul.f32 $1.442695020e+00, v6;
	v6 =	vsub.f32 v20, v2;
	v17 =	vpop (erf)  }
0x11c: {  	v31 =	vld [tilespmem:$0x1FEA0];
	v3 =	vmul.f32 $3.000000000e+01, v3;
	(erf) = vpow2.f32 v5;
	v0 =	vadd.f32 v0, v17  }
0x11d: {  	v21 =	vmul.f32 $3.000000000e+01, v6;
	v5 =	vsub.f32 v22, v2;
	v18 =	vpop (erf)  }
0x11e: {  	v3 =	vmul.f32 $1.442695020e+00, v3;
	(erf) = vpow2.f32 v19;
	v0 =	vadd.f32 v0, v18  }
0x11f: {  	v32 =	vld [tilespmem:$0x1FEB0];
	v6 =	vsub.f32 v27, v2;
	v24 =	vmul.f32 $1.442695020e+00, v21;
	v23 =	vpop (erf)  }
0x120: {  	v36 =	vld [tilespmem:$0x1FEC0];
	v25 =	vmul.f32 $3.000000000e+01, v5;
	(erf) = vpow2.f32 v3;
	v0 =	vadd.f32 v0, v23  }
0x121: {  	v30 =	vmul.f32 $3.000000000e+01, v6;
	v6 =	vsub.f32 v31, v2;
	v26 =	vpop (erf)  }
0x122: {  	v39 =	vld [tilespmem:$0x1FED0];
	(erf) = vpow2.f32 v24;
	v28 =	vmul.f32 $1.442695020e+00, v25;
	v0 =	vadd.f32 v0, v26  }
0x123: {  	v6 =	vmul.f32 $3.000000000e+01, v6;
	v5 =	vmul.f32 $1.442695020e+00, v30;
	v29 =	vpop (erf)  }
0x124: {  	v3 =	vsub.f32 v32, v2;
	(erf) = vpow2.f32 v28;
	v0 =	vadd.f32 v0, v29  }
0x125: {  	v40 =	vld [tilespmem:$0x1FEE0];
	v35 =	vmul.f32 $1.442695020e+00, v6;
	v6 =	vsub.f32 v36, v2;
	v33 =	vpop (erf)  }
0x126: {  	v45 =	vld [tilespmem:$0x1FEF0];
	v3 =	vmul.f32 $3.000000000e+01, v3;
	(erf) = vpow2.f32 v5;
	v0 =	vadd.f32 v0, v33  }
0x127: {  	v38 =	vmul.f32 $3.000000000e+01, v6;
	v6 =	vsub.f32 v39, v2;
	v34 =	vpop (erf)  }
0x128: {  	v47 =	vld [tilespmem:$0x1FF00];
	v3 =	vmul.f32 $1.442695020e+00, v3;
	(erf) = vpow2.f32 v35;
	v0 =	vadd.f32 v0, v34  }
0x129: {  	v6 =	vmul.f32 $3.000000000e+01, v6;
	v5 =	vmul.f32 $1.442695020e+00, v38;
	v37 =	vpop (erf)  }
0x12a: {  	v52 =	vld [tilespmem:$0x1FF10];
	(erf) = vpow2.f32 v3;
	v3 =	vsub.f32 v40, v2;
	v0 =	vadd.f32 v0, v37  }
0x12b: {  	v43 =	vmul.f32 $1.442695020e+00, v6;
	v6 =	vsub.f32 v45, v2;
	v41 =	vpop (erf)  }
0x12c: {  	v56 =	vld [tilespmem:$0x1FF20];
	v3 =	vmul.f32 $3.000000000e+01, v3;
	(erf) = vpow2.f32 v5;
	v0 =	vadd.f32 v0, v41  }
0x12d: {  	v46 =	vmul.f32 $3.000000000e+01, v6;
	v5 =	vsub.f32 v47, v2;
	v42 =	vpop (erf)  }
0x12e: {  	v3 =	vmul.f32 $1.442695020e+00, v3;
	(erf) = vpow2.f32 v43;
	v0 =	vadd.f32 v0, v42  }
0x12f: {  	v57 =	vld [tilespmem:$0x1FF30];
	v6 =	vsub.f32 v52, v2;
	v49 =	vmul.f32 $1.442695020e+00, v46;
	v48 =	vpop (erf)  }
0x130: {  	v61 =	vld [tilespmem:$0x1FF40];
	v50 =	vmul.f32 $3.000000000e+01, v5;
	(erf) = vpow2.f32 v3;
	v0 =	vadd.f32 v0, v48  }
0x131: {  	v15 =	vld [tilespmem:$0x1FF60];
	v55 =	vmul.f32 $3.000000000e+01, v6;
	v6 =	vsub.f32 v56, v2;
	v51 =	vpop (erf)  }
0x132: {  	v9 =	vld [tilespmem:$0x1FF50];
	v53 =	vmul.f32 $1.442695020e+00, v50;
	(erf) = vpow2.f32 v49;
	v0 =	vadd.f32 v0, v51  }
0x133: {  	v5 =	vmul.f32 $1.442695020e+00, v55;
	v6 =	vmul.f32 $3.000000000e+01, v6;
	v54 =	vpop (erf)  }
0x134: {  	v3 =	vsub.f32 v57, v2;
	(erf) = vpow2.f32 v53;
	v0 =	vadd.f32 v0, v54  }
0x135: {  	v60 =	vmul.f32 $1.442695020e+00, v6;
	v6 =	vsub.f32 v61, v2;
	v58 =	vpop (erf)  }
0x136: {  	v3 =	vmul.f32 $3.000000000e+01, v3;
	(erf) = vpow2.f32 v5;
	v0 =	vadd.f32 v0, v58  }
0x137: {  	v4 =	vsub.f32 v15, v2;
	v19 =	vld [tilespmem:$0x1FF70];
	v63 =	vmul.f32 $3.000000000e+01, v6;
	v6 =	vsub.f32 v9, v2;
	v59 =	vpop (erf)  }
0x138: {  	v21 =	vld [tilespmem:$0x1FF80];
	v3 =	vmul.f32 $1.442695020e+00, v3;
	(erf) = vpow2.f32 v60;
	v0 =	vadd.f32 v0, v59  }
0x139: {  	v22 =	vld [tilespmem:$0x1FF90];
	v12 =	vmul.f32 $1.442695020e+00, v63;
	v13 =	vmul.f32 $3.000000000e+01, v6;
	v62 =	vpop (erf)  }
0x13a: {  	v25 =	vld [tilespmem:s14+$0x0];
	v17 =	vmul.f32 $3.000000000e+01, v4;
	(erf) = vpow2.f32 v3;
	v0 =	vadd.f32 v0, v62  }
0x13b: {  	v14 =	vmul.f32 $1.442695020e+00, v13;
	v11 =	vpop (erf);
	(erf) = vpow2.f32 v12  }
0x13c: {  	v24 =	vld [tilespmem:$0x1FFA0];
	v5 =	vsub.f32 v19, v2;
	v0 =	vadd.f32 v0, v11  }
0x13d: {  	v3 =	vmul.f32 $1.442695020e+00, v17;
	v16 =	vpop (erf);
	(erf) = vpow2.f32 v14  }
0x13e: {  	v6 =	vsub.f32 v21, v2;
	v5 =	vmul.f32 $3.000000000e+01, v5;
	v0 =	vadd.f32 v0, v16  }
0x13f: {  	v28 =	vld [tilespmem:$0x1FFB0];
	v32 =	vand.u32 $0xFFFFFF80, v25;
	(erf) = vpow2.f32 v3;
	v3 =	vsub.f32 v22, v2;
	v18 =	vpop (erf)  }
0x140: {  	v6 =	vmul.f32 $3.000000000e+01, v6;
	v5 =	vmul.f32 $1.442695020e+00, v5;
	v0 =	vadd.f32 v0, v18  }
0x141: {  	v1 =	vadd.s32 v1, v32;
	v4 =	vsub.f32 v24, v2;
	v3 =	vmul.f32 $3.000000000e+01, v3;
	v20 =	vpop (erf)  }
0x142: {  	v6 =	vmul.f32 $1.442695020e+00, v6;
	(erf) = vpow2.f32 v5;
	v0 =	vadd.f32 v0, v20  }
0x143: {  	v4 =	vmul.f32 $3.000000000e+01, v4;
	v33 =	vand.u32 $0x7F, v25;
	v3 =	vmul.f32 $1.442695020e+00, v3;
	v23 =	vpop (erf)  }
0x144: {  	v26 =	vpop (erf);
	(erf) = vpow2.f32 v6;
	v6 =	vsub.f32 v28, v2;
	v0 =	vadd.f32 v0, v23  }
0x145: {  	v31 =	vsub.f32 v10, v2;
	v39 =	vld [tilespmem:$0x1FFC0];
	v29 =	vmul.f32 $1.442695020e+00, v4;
	v1 =	vor.u32 v33, v1  }
0x146: {  	v40 =	vld [tilespmem:$0x1FFD0];
	v27 =	vpop (erf);
	(erf) = vpow2.f32 v3;
	v30 =	vmul.f32 $3.000000000e+01, v6;
	v0 =	vadd.f32 v0, v26  }
0x147: {  	v35 =	vsub.f32 v8, v2;
	v5 =	vmul.f32 $3.000000000e+01, v31  }
0x148: {  	v45 =	vld [tilespmem:$0x1FFE0];
	(erf) = vpow2.f32 v29;
	v4 =	vmul.f32 $1.442695020e+00, v30;
	v0 =	vadd.f32 v0, v27  }
0x149: {  	v38 =	vmul.f32 $3.000000000e+01, v35;
	v36 =	vmul.f32 $1.442695020e+00, v5;
	v34 =	vpop (erf)  }
0x14a: {  	v6 =	vsub.f32 v39, v2;
	(erf) = vpow2.f32 v4;
	v0 =	vadd.f32 v0, v34  }
0x14b: {  	v1 =	vld.idx.msk [tilespmem:v1+s3+$0x0], $0xffff;
	v5 =	vmul.f32 $1.442695020e+00, v38;
	v3 =	vsub.f32 v40, v2;
	v37 =	vpop (erf)  }
0x14c: {  	v42 =	vld.idx.msk [tilespmem:v25+s10+$0x0], $0xffff;
	v6 =	vmul.f32 $3.000000000e+01, v6;
	(erf) = vpow2.f32 v36;
	v0 =	vadd.f32 v0, v37  }
0x14d: {  	v7 =	vsub.f32 v45, v2;
	v3 =	vmul.f32 $3.000000000e+01, v3;
	v41 =	vpop (erf)  }
0x14e: {  	v6 =	vmul.f32 $1.442695020e+00, v6;
	(erf) = vpow2.f32 v5;
	v0 =	vadd.f32 v0, v41  }
0x14f: {  	v46 =	vsub.f32 v44, v2;
	v7 =	vmul.f32 $3.000000000e+01, v7;
	v43 =	vpop (erf)  }
0x150: {  	v3 =	vmul.f32 $1.442695020e+00, v3;
	(erf) = vpow2.f32 v6;
	v0 =	vadd.f32 v0, v43  }
0x151: {  	v50 =	vmul.f32 $1.442695020e+00, v7;
	v4 =	vsub.f32 v1, v42;
	v1 =	vsub.f32 v1, v2;
	v47 =	vpop (erf)  }
0x152: {  	v48 =	vmul.f32 $3.000000000e+01, v46;
	(erf) = vpow2.f32 v3;
	v0 =	vadd.f32 v0, v47  }
0x153: {  	v1 =	vmul.f32 $3.000000000e+01, v1;
	v51 =	vsub.f32 v4, v2;
	v49 =	vpop (erf)  }
0x154: {  	v3 =	vmul.f32 $1.442695020e+00, v48;
	(erf) = vpow2.f32 v50;
	v0 =	vadd.f32 v0, v49  }
0x155: {  	v1 =	vmul.f32 $1.442695020e+00, v1;
	v52 =	vpop (erf)  }
0x156: {  	v53 =	vmul.f32 $3.000000000e+01, v51;
	(erf) = vpow2.f32 v3;
	v0 =	vadd.f32 v0, v52  }
0x157: {  	v54 =	vpop (erf)  }
0x158: {  	v55 =	vmul.f32 $1.442695020e+00, v53;
	(erf) = vpow2.f32 v1;
	v0 =	vadd.f32 v0, v54  }
0x159: {  	v56 =	vpop (erf)  }
0x15a: {  	(erf) = vpow2.f32 v55;
	v0 =	vadd.f32 v0, v56  }
0x15b: {  	v57 =	vpop (erf)  }
0x15c: {  	v0 =	vadd.f32 v0, v57  }
0x15d: {  	v58 =	vpop (erf)  }
0x15e: {  	v0 =	vadd.f32 v0, v58  }
0x15f: {  	v59 =	vpop (erf)  }
0x160: {  	v0 =	vadd.f32 v0, v59  }
0x161: {  	v60 =	vpop (erf)  }
0x162: {  	p0 =	sne.s32 s17, $0x70;
	v0 =	vsub.f32 v0, v60  }
.Ltmp0:
0x163: {  	v2 =	vmul.f32 $3.000000000e+01, v2;
	v62 =	vmul.f32 $3.000000000e+01, v4;
	v61 =	vpop (erf);
	(pc) =	sbr.rel @p0 .LBB2_2-.Ltmp0, $4  }
0x164: {  	v0 =	vadd.f32 v0, v61  }
0x165: {  	v63 =	vsub.f32 v2, v62  }
0x166: {  	s17 =	sadd.s32 $0x10, s17;
	[tilespmem:s16+$0x0] =	vst v0  }
0x167: {  	s14 =	sadd.s32 $0x10, s14;
	s16 =	sadd.s32 $0x10, s16;
	[tilespmem:s15+$0x0] =	vst v63;
	s15 =	sadd.s32 $0x10, s15  }
0x168: {  	[hbm4b:s6+s3] =	stream.linear.scatter [tilespmem:s11], [sflag:$0x1], $0x80, $0x38;
	[tilespmem:$0x4200] =	vst v63  }
0x169: {  	s13 =	sadd.s32 $0x1, s13;
	_ =	swait.ge [sflag:s9], $0x80  }
0x16a: {  	p0 =	sne.s32 s13, s8;
	[sflag:s9] =	ssyncset.done $0x0  }
.Ltmp1:
0x16b: {  	[sflag:s9] =	ssyncadd.s32 $0xFFFFFF80;
	(pc) =	sbr.rel @p0 .LBB2_1-.Ltmp1, $4  }
0x16c: {  	[hbm4b:s7+s3] =	stream.linear.scatter [tilespmem:s12], [sflag:$0x1], $0x80, $0x38;
	[tilespmem:$0x4200] =	vst v63  }
0x16d: {  	_ =	swait.ge [sflag:s9], $0x80  }
0x16e: {  	[sflag:s9] =	ssyncset.done $0x0  }
0x16f: {  	[sflag:s9] =	ssyncadd.s32 $0xFFFFFF80  }
0x170: {  	_ =	sfence.sel $0x180000  }
0x171: {  	[bflag:$0x0] =	sbarrier.arrive $0xFFFF  }
0x172: {  	p0 =	sne.s32 s1, $0x0;
	_ =	strace $0x90000047  }
0x173: {  	s0 =	sadd.s32 @!p0 $0x100000, s0;
	[bflag:$0x2] =	sbarrier.arrive $0xFFFF  }
0x174: {  	[sflag:s0] =	ssyncadd.tile.s32 @!p0 $0x1;
	_ =	shalt  }
.Lfunc_end2:
_tile_overlayer_lowered:
.L_overlay_start_2:
0x175: {  	(tag) =	ssettag $0x2  }
0x176: {  	s0 =	rddreg [dreg:$0x0];
	s2 =	stileid.u32  }
0x177: {  	s1 =	rddreg [dreg:$0x1];
	p0 =	sne.s32 s2, $0x0  }
0x178: {  	s3 =	rddreg [dreg:$0x2];
	[bflag:$0x3] =	sbarrier.arrive $0xFFFF;
	s2 =	simm.s32 @!p0 $0x1C01  }
0x179: {  	[timem:s3], [sflag:s2] =	dma.local @!p0 [hbm:s0], s1  }
0x17a: {  	s0 =	simm.s32 @!p0 $0x1  }
0x17b: {  	_ =	swait.ge @!p0 [sflag:s0], s1  }
0x17c: {  	s1 =	ssub.s32 @!p0 $0x0, s1;
	[sflag:s0] =	ssyncset.done @!p0 $0x0  }
0x17d: {  	[sflag:s0] =	ssyncadd.s32 @!p0 s1  }
0x17e: {  	[bflag:$0x3] =	sbarrier.arrive $0xFFFF  }
0x17f: {  	_ =	shalt  }

</sc_bundles>
